<compile_context>
chip_gen: v7x
topology: tpu7x:2x2x1
jax: 0.10.2.dev20260603
libtpu: 0.0.44.dev20260713+nightly
codegen_flags: <defaults>
</compile_context>

<pallas_src>
import functools

import jax
import jax.numpy as jnp
from jax import lax
from jax.experimental import pallas as pl
from jax.experimental.pallas import tpu as pltpu
from jax.experimental.pallas import tpu_sc as plsc

L = 16
NC, NS = 2, 16
NW = NC * NS

M, K, N = 16384, 4096, 64
P = (M * N) // NW
CHUNK = 128
NCH = P // CHUNK
GROUPS = CHUNK // L
ROWS_PER_CHUNK = CHUNK // N
ROWS_PER_W = P // N
NSL = N // L
DEPTH = 8

_mesh = plsc.VectorSubcoreMesh(core_axis_name="c", subcore_axis_name="s")


@functools.partial(
    pl.kernel,
    out_type=jax.ShapeDtypeStruct((M * N,), jnp.float32),
    mesh=_mesh,
    scratch_types=[
        pltpu.VMEM((N,), jnp.int32),
        pltpu.VMEM((NSL, L), jnp.int32),
        pltpu.VMEM((NCH, CHUNK), jnp.int32),
        pltpu.VMEM((P,), jnp.float32),
        pltpu.SemaphoreType.DMA,
    ],
)
def _sc_gather(xf, idxh, out, idxv, pre, idxbuf, stage, sem):
    wid = lax.axis_index("s") * NC + lax.axis_index("c")
    pltpu.sync_copy(idxh, idxv)
    for s in range(NSL):
        pre[s, :] = idxv[pl.ds(s * L, L)]
    base_row = wid * ROWS_PER_W

    def build_body(c, carry):
        for g in range(GROUPS):
            i = base_row + c * ROWS_PER_CHUNK + (g * L) // N
            s = (g * L) % N // L
            idxbuf[c, pl.ds(g * L, L)] = pre[s, :] + i * K
        return carry

    lax.fori_loop(0, NCH, build_body, 0)

    def fire(c):
        return pltpu.async_copy(
            xf.at[idxbuf.at[c]], stage.at[pl.ds(c * CHUNK, CHUNK)], sem)

    def drain_one():
        pltpu.make_async_copy(
            xf.at[idxbuf.at[0]], stage.at[pl.ds(0, CHUNK)], sem).wait()

    for b in range(DEPTH):
        fire(b)

    def dma_body(c, carry):
        drain_one()
        fire(c)
        return carry

    lax.fori_loop(DEPTH, NCH, dma_body, 0)
    for b in range(DEPTH):
        drain_one()

    pltpu.sync_copy(stage, out.at[pl.ds(wid * P, P)])


def kernel(x, idx):
    xf = x.reshape(M * K)
    return _sc_gather(xf, idx).reshape(M, N)

# --- scband reference (transcript-rebuilt; emitter-appended) ---
"""Pipeline reference for scband-obs-to-state-map-21887153340610 (READ-ONLY COPY).

The authoritative reference and input builder live on the scoring server;
editing this copy changes nothing except your own understanding.
"""

import jax, jax.numpy as jnp
import numpy as np

RETURN_IDX = np.arange(0, 4096, 64, dtype=np.int32)  # 64 indices

def setup_inputs(seed: int = 0) -> dict:
    key = jax.random.key(seed)
    x = jax.random.normal(key, (16384, 4096), dtype=jnp.float32)
    idx = jnp.asarray(RETURN_IDX, dtype=jnp.int32)
    return {"x": x, "idx": idx}

def reference(x, idx):
    # Faithful translation of: x[:, self.return_idx]
    return jnp.take(x, idx, axis=1)

if __name__ == "__main__":
    import jax
    _d = setup_inputs()
    print(jax.jit(kernel)(*tuple(_d.values())))

</pallas_src>

<mosaic_0001>
#map = affine_map<(d0, d1) -> (0)>
module attributes {stable_mosaic.version = 14 : i64} {
  func.func @_sc_gather(%arg0: i32, %arg1: i32, %arg2: memref<67108864xf32, #tpu.memory_space<hbm>>, %arg3: memref<64xi32, #tpu.memory_space<hbm>>, %arg4: memref<1048576xf32, #tpu.memory_space<hbm>>, %arg5: memref<64xi32, #tpu.memory_space<vmem>>, %arg6: memref<4x16xi32, #tpu.memory_space<vmem>>, %arg7: memref<256x128xi32, #tpu.memory_space<vmem>>, %arg8: memref<32768xf32, #tpu.memory_space<vmem>>, %arg9: memref<!tpu.dma_semaphore, #tpu.memory_space<semaphore_mem>>) attributes {dimension_semantics = [#tpu.dimension_semantics<core_parallel>, #tpu.dimension_semantics<subcore_parallel>], iteration_bounds = array<i64: 2, 16>, scalar_prefetch = 0 : i64, scratch_operands = 5 : i64, tpu.core_type = #tpu.core_type<sc_vector_subcore>, window_params = [{transform_indices = #map}, {transform_indices = #map}, {transform_indices = #map}]} {
    %mul3A = arith.constant 2 : i32
    %mul3A_0 = arith.muli %arg1, %mul3A : i32
    %add3A = arith.addi %mul3A_0, %arg0 : i32
    "tpu.region"() ({
      %run_scoped3A = tpu.sem_alloc : memref<!tpu.dma_semaphore, #tpu.memory_space<semaphore_mem>>
      tpu.enqueue_dma source(%arg3 : memref<64xi32, #tpu.memory_space<hbm>>) target(%arg5 : memref<64xi32, #tpu.memory_space<vmem>>) target_semaphore(%run_scoped3A : memref<!tpu.dma_semaphore, #tpu.memory_space<semaphore_mem>>)
      tpu.wait_dma2 semaphore(%run_scoped3A : memref<!tpu.dma_semaphore, #tpu.memory_space<semaphore_mem>>) src(%arg3 : memref<64xi32, #tpu.memory_space<hbm>>) dst(%arg5 : memref<64xi32, #tpu.memory_space<vmem>>)
      tpu.yield
    }) : () -> ()
    %get3A = arith.constant 0 : index
    %get3A_1 = tpu.vector_load %arg5[%get3A] {strides = array<i32>} : memref<64xi32, #tpu.memory_space<vmem>>, vector<16xi32>,
    %get3A_2 = vector.shape_cast %get3A_1 : vector<16xi32> to vector<16xi32>
    %swap3A = arith.constant 0 : i32
    %swap3A_3 = arith.index_cast %swap3A : i32 to index
    %swap3A_4 = arith.constant 0 : index
    %swap3A_5 = tpu.vector_load %arg6[%swap3A_3, %swap3A_4] {strides = array<i32>} : memref<4x16xi32, #tpu.memory_space<vmem>>, vector<1x16xi32>,
    %swap3A_6 = vector.shape_cast %swap3A_5 : vector<1x16xi32> to vector<16xi32>
    %swap3A_7 = vector.shape_cast %get3A_2 : vector<16xi32> to vector<1x16xi32>
    tpu.vector_store %arg6[%swap3A_3, %swap3A_4], %swap3A_7 {strides = array<i32>} : memref<4x16xi32, #tpu.memory_space<vmem>>, vector<1x16xi32>,
    %get3A_8 = arith.constant 16 : index
    %get3A_9 = tpu.vector_load %arg5[%get3A_8] {strides = array<i32>} : memref<64xi32, #tpu.memory_space<vmem>>, vector<16xi32>,
    %get3A_10 = vector.shape_cast %get3A_9 : vector<16xi32> to vector<16xi32>
    %swap3A_11 = arith.constant 1 : i32
    %swap3A_12 = arith.index_cast %swap3A_11 : i32 to index
    %swap3A_13 = arith.constant 0 : index
    %swap3A_14 = tpu.vector_load %arg6[%swap3A_12, %swap3A_13] {strides = array<i32>} : memref<4x16xi32, #tpu.memory_space<vmem>>, vector<1x16xi32>,
    %swap3A_15 = vector.shape_cast %swap3A_14 : vector<1x16xi32> to vector<16xi32>
    %swap3A_16 = vector.shape_cast %get3A_10 : vector<16xi32> to vector<1x16xi32>
    tpu.vector_store %arg6[%swap3A_12, %swap3A_13], %swap3A_16 {strides = array<i32>} : memref<4x16xi32, #tpu.memory_space<vmem>>, vector<1x16xi32>,
    %get3A_17 = arith.constant 32 : index
    %get3A_18 = tpu.vector_load %arg5[%get3A_17] {strides = array<i32>} : memref<64xi32, #tpu.memory_space<vmem>>, vector<16xi32>,
    %get3A_19 = vector.shape_cast %get3A_18 : vector<16xi32> to vector<16xi32>
    %swap3A_20 = arith.constant 2 : i32
    %swap3A_21 = arith.index_cast %swap3A_20 : i32 to index
    %swap3A_22 = arith.constant 0 : index
    %swap3A_23 = tpu.vector_load %arg6[%swap3A_21, %swap3A_22] {strides = array<i32>} : memref<4x16xi32, #tpu.memory_space<vmem>>, vector<1x16xi32>,
    %swap3A_24 = vector.shape_cast %swap3A_23 : vector<1x16xi32> to vector<16xi32>
    %swap3A_25 = vector.shape_cast %get3A_19 : vector<16xi32> to vector<1x16xi32>
    tpu.vector_store %arg6[%swap3A_21, %swap3A_22], %swap3A_25 {strides = array<i32>} : memref<4x16xi32, #tpu.memory_space<vmem>>, vector<1x16xi32>,
    %get3A_26 = arith.constant 48 : index
    %get3A_27 = tpu.vector_load %arg5[%get3A_26] {strides = array<i32>} : memref<64xi32, #tpu.memory_space<vmem>>, vector<16xi32>,
    %get3A_28 = vector.shape_cast %get3A_27 : vector<16xi32> to vector<16xi32>
    %swap3A_29 = arith.constant 3 : i32
    %swap3A_30 = arith.index_cast %swap3A_29 : i32 to index
    %swap3A_31 = arith.constant 0 : index
    %swap3A_32 = tpu.vector_load %arg6[%swap3A_30, %swap3A_31] {strides = array<i32>} : memref<4x16xi32, #tpu.memory_space<vmem>>, vector<1x16xi32>,
    %swap3A_33 = vector.shape_cast %swap3A_32 : vector<1x16xi32> to vector<16xi32>
    %swap3A_34 = vector.shape_cast %get3A_28 : vector<16xi32> to vector<1x16xi32>
    tpu.vector_store %arg6[%swap3A_30, %swap3A_31], %swap3A_34 {strides = array<i32>} : memref<4x16xi32, #tpu.memory_space<vmem>>, vector<1x16xi32>,
    %mul3A_35 = arith.constant 512 : i32
    %mul3A_36 = arith.muli %add3A, %mul3A_35 : i32
    %scan3A = arith.constant 0 : i32
    %scan3A_37 = arith.constant 0 : i32
    %scan3A_38 = arith.constant 256 : i32
    %scan3A_39 = arith.addi %scan3A_37, %scan3A_38 : i32
    %scan3A_40 = arith.constant 1 : i32
    scf.for %scan3A_176 = %scan3A_37 to %scan3A_39 step %scan3A_40  : i32 {
      %mul3A_177 = arith.constant 2 : i32
      %mul3A_178 = arith.muli %scan3A_176, %mul3A_177 : i32
      %add3A_179 = arith.addi %mul3A_36, %mul3A_178 : i32
      %add3A_180 = arith.constant 0 : i32
      %add3A_181 = arith.addi %add3A_179, %add3A_180 : i32
      %get3A_182 = arith.constant 0 : i32
      %get3A_183 = arith.index_cast %get3A_182 : i32 to index
      %get3A_184 = arith.constant 0 : index
      %get3A_185 = tpu.vector_load %arg6[%get3A_183, %get3A_184] {strides = array<i32>} : memref<4x16xi32, #tpu.memory_space<vmem>>, vector<1x16xi32>,
      %get3A_186 = vector.shape_cast %get3A_185 : vector<1x16xi32> to vector<16xi32>
      %mul3A_187 = arith.constant 4096 : i32
      %mul3A_188 = arith.muli %add3A_181, %mul3A_187 : i32
      %add3A_189 = vector.broadcast %mul3A_188 : i32 to vector<16xi32>
      %add3A_190 = arith.addi %get3A_186, %add3A_189 : vector<16xi32>
      %swap3A_191 = arith.index_cast %scan3A_176 : i32 to index
      %swap3A_192 = arith.constant 0 : index
      %swap3A_193 = tpu.vector_load %arg7[%swap3A_191, %swap3A_192] {strides = array<i32>} : memref<256x128xi32, #tpu.memory_space<vmem>>, vector<1x16xi32>,
      %swap3A_194 = vector.shape_cast %swap3A_193 : vector<1x16xi32> to vector<16xi32>
      %swap3A_195 = vector.shape_cast %add3A_190 : vector<16xi32> to vector<1x16xi32>
      tpu.vector_store %arg7[%swap3A_191, %swap3A_192], %swap3A_195 {strides = array<i32>} : memref<256x128xi32, #tpu.memory_space<vmem>>, vector<1x16xi32>,
      %mul3A_196 = arith.constant 2 : i32
      %mul3A_197 = arith.muli %scan3A_176, %mul3A_196 : i32
      %add3A_198 = arith.addi %mul3A_36, %mul3A_197 : i32
      %add3A_199 = arith.constant 0 : i32
      %add3A_200 = arith.addi %add3A_198, %add3A_199 : i32
      %get3A_201 = arith.constant 1 : i32
      %get3A_202 = arith.index_cast %get3A_201 : i32 to index
      %get3A_203 = arith.constant 0 : index
      %get3A_204 = tpu.vector_load %arg6[%get3A_202, %get3A_203] {strides = array<i32>} : memref<4x16xi32, #tpu.memory_space<vmem>>, vector<1x16xi32>,
      %get3A_205 = vector.shape_cast %get3A_204 : vector<1x16xi32> to vector<16xi32>
      %mul3A_206 = arith.constant 4096 : i32
      %mul3A_207 = arith.muli %add3A_200, %mul3A_206 : i32
      %add3A_208 = vector.broadcast %mul3A_207 : i32 to vector<16xi32>
      %add3A_209 = arith.addi %get3A_205, %add3A_208 : vector<16xi32>
      %swap3A_210 = arith.index_cast %scan3A_176 : i32 to index
      %swap3A_211 = arith.constant 16 : index
      %swap3A_212 = tpu.vector_load %arg7[%swap3A_210, %swap3A_211] {strides = array<i32>} : memref<256x128xi32, #tpu.memory_space<vmem>>, vector<1x16xi32>,
      %swap3A_213 = vector.shape_cast %swap3A_212 : vector<1x16xi32> to vector<16xi32>
      %swap3A_214 = vector.shape_cast %add3A_209 : vector<16xi32> to vector<1x16xi32>
      tpu.vector_store %arg7[%swap3A_210, %swap3A_211], %swap3A_214 {strides = array<i32>} : memref<256x128xi32, #tpu.memory_space<vmem>>, vector<1x16xi32>,
      %mul3A_215 = arith.constant 2 : i32
      %mul3A_216 = arith.muli %scan3A_176, %mul3A_215 : i32
      %add3A_217 = arith.addi %mul3A_36, %mul3A_216 : i32
      %add3A_218 = arith.constant 0 : i32
      %add3A_219 = arith.addi %add3A_217, %add3A_218 : i32
      %get3A_220 = arith.constant 2 : i32
      %get3A_221 = arith.index_cast %get3A_220 : i32 to index
      %get3A_222 = arith.constant 0 : index
      %get3A_223 = tpu.vector_load %arg6[%get3A_221, %get3A_222] {strides = array<i32>} : memref<4x16xi32, #tpu.memory_space<vmem>>, vector<1x16xi32>,
      %get3A_224 = vector.shape_cast %get3A_223 : vector<1x16xi32> to vector<16xi32>
      %mul3A_225 = arith.constant 4096 : i32
      %mul3A_226 = arith.muli %add3A_219, %mul3A_225 : i32
      %add3A_227 = vector.broadcast %mul3A_226 : i32 to vector<16xi32>
      %add3A_228 = arith.addi %get3A_224, %add3A_227 : vector<16xi32>
      %swap3A_229 = arith.index_cast %scan3A_176 : i32 to index
      %swap3A_230 = arith.constant 32 : index
      %swap3A_231 = tpu.vector_load %arg7[%swap3A_229, %swap3A_230] {strides = array<i32>} : memref<256x128xi32, #tpu.memory_space<vmem>>, vector<1x16xi32>,
      %swap3A_232 = vector.shape_cast %swap3A_231 : vector<1x16xi32> to vector<16xi32>
      %swap3A_233 = vector.shape_cast %add3A_228 : vector<16xi32> to vector<1x16xi32>
      tpu.vector_store %arg7[%swap3A_229, %swap3A_230], %swap3A_233 {strides = array<i32>} : memref<256x128xi32, #tpu.memory_space<vmem>>, vector<1x16xi32>,
      %mul3A_234 = arith.constant 2 : i32
      %mul3A_235 = arith.muli %scan3A_176, %mul3A_234 : i32
      %add3A_236 = arith.addi %mul3A_36, %mul3A_235 : i32
      %add3A_237 = arith.constant 0 : i32
      %add3A_238 = arith.addi %add3A_236, %add3A_237 : i32
      %get3A_239 = arith.constant 3 : i32
      %get3A_240 = arith.index_cast %get3A_239 : i32 to index
      %get3A_241 = arith.constant 0 : index
      %get3A_242 = tpu.vector_load %arg6[%get3A_240, %get3A_241] {strides = array<i32>} : memref<4x16xi32, #tpu.memory_space<vmem>>, vector<1x16xi32>,
      %get3A_243 = vector.shape_cast %get3A_242 : vector<1x16xi32> to vector<16xi32>
      %mul3A_244 = arith.constant 4096 : i32
      %mul3A_245 = arith.muli %add3A_238, %mul3A_244 : i32
      %add3A_246 = vector.broadcast %mul3A_245 : i32 to vector<16xi32>
      %add3A_247 = arith.addi %get3A_243, %add3A_246 : vector<16xi32>
      %swap3A_248 = arith.index_cast %scan3A_176 : i32 to index
      %swap3A_249 = arith.constant 48 : index
      %swap3A_250 = tpu.vector_load %arg7[%swap3A_248, %swap3A_249] {strides = array<i32>} : memref<256x128xi32, #tpu.memory_space<vmem>>, vector<1x16xi32>,
      %swap3A_251 = vector.shape_cast %swap3A_250 : vector<1x16xi32> to vector<16xi32>
      %swap3A_252 = vector.shape_cast %add3A_247 : vector<16xi32> to vector<1x16xi32>
      tpu.vector_store %arg7[%swap3A_248, %swap3A_249], %swap3A_252 {strides = array<i32>} : memref<256x128xi32, #tpu.memory_space<vmem>>, vector<1x16xi32>,
      %mul3A_253 = arith.constant 2 : i32
      %mul3A_254 = arith.muli %scan3A_176, %mul3A_253 : i32
      %add3A_255 = arith.addi %mul3A_36, %mul3A_254 : i32
      %add3A_256 = arith.constant 1 : i32
      %add3A_257 = arith.addi %add3A_255, %add3A_256 : i32
      %get3A_258 = arith.constant 0 : i32
      %get3A_259 = arith.index_cast %get3A_258 : i32 to index
      %get3A_260 = arith.constant 0 : index
      %get3A_261 = tpu.vector_load %arg6[%get3A_259, %get3A_260] {strides = array<i32>} : memref<4x16xi32, #tpu.memory_space<vmem>>, vector<1x16xi32>,
      %get3A_262 = vector.shape_cast %get3A_261 : vector<1x16xi32> to vector<16xi32>
      %mul3A_263 = arith.constant 4096 : i32
      %mul3A_264 = arith.muli %add3A_257, %mul3A_263 : i32
      %add3A_265 = vector.broadcast %mul3A_264 : i32 to vector<16xi32>
      %add3A_266 = arith.addi %get3A_262, %add3A_265 : vector<16xi32>
      %swap3A_267 = arith.index_cast %scan3A_176 : i32 to index
      %swap3A_268 = arith.constant 64 : index
      %swap3A_269 = tpu.vector_load %arg7[%swap3A_267, %swap3A_268] {strides = array<i32>} : memref<256x128xi32, #tpu.memory_space<vmem>>, vector<1x16xi32>,
      %swap3A_270 = vector.shape_cast %swap3A_269 : vector<1x16xi32> to vector<16xi32>
      %swap3A_271 = vector.shape_cast %add3A_266 : vector<16xi32> to vector<1x16xi32>
      tpu.vector_store %arg7[%swap3A_267, %swap3A_268], %swap3A_271 {strides = array<i32>} : memref<256x128xi32, #tpu.memory_space<vmem>>, vector<1x16xi32>,
      %mul3A_272 = arith.constant 2 : i32
      %mul3A_273 = arith.muli %scan3A_176, %mul3A_272 : i32
      %add3A_274 = arith.addi %mul3A_36, %mul3A_273 : i32
      %add3A_275 = arith.constant 1 : i32
      %add3A_276 = arith.addi %add3A_274, %add3A_275 : i32
      %get3A_277 = arith.constant 1 : i32
      %get3A_278 = arith.index_cast %get3A_277 : i32 to index
      %get3A_279 = arith.constant 0 : index
      %get3A_280 = tpu.vector_load %arg6[%get3A_278, %get3A_279] {strides = array<i32>} : memref<4x16xi32, #tpu.memory_space<vmem>>, vector<1x16xi32>,
      %get3A_281 = vector.shape_cast %get3A_280 : vector<1x16xi32> to vector<16xi32>
      %mul3A_282 = arith.constant 4096 : i32
      %mul3A_283 = arith.muli %add3A_276, %mul3A_282 : i32
      %add3A_284 = vector.broadcast %mul3A_283 : i32 to vector<16xi32>
      %add3A_285 = arith.addi %get3A_281, %add3A_284 : vector<16xi32>
      %swap3A_286 = arith.index_cast %scan3A_176 : i32 to index
      %swap3A_287 = arith.constant 80 : index
      %swap3A_288 = tpu.vector_load %arg7[%swap3A_286, %swap3A_287] {strides = array<i32>} : memref<256x128xi32, #tpu.memory_space<vmem>>, vector<1x16xi32>,
      %swap3A_289 = vector.shape_cast %swap3A_288 : vector<1x16xi32> to vector<16xi32>
      %swap3A_290 = vector.shape_cast %add3A_285 : vector<16xi32> to vector<1x16xi32>
      tpu.vector_store %arg7[%swap3A_286, %swap3A_287], %swap3A_290 {strides = array<i32>} : memref<256x128xi32, #tpu.memory_space<vmem>>, vector<1x16xi32>,
      %mul3A_291 = arith.constant 2 : i32
      %mul3A_292 = arith.muli %scan3A_176, %mul3A_291 : i32
      %add3A_293 = arith.addi %mul3A_36, %mul3A_292 : i32
      %add3A_294 = arith.constant 1 : i32
      %add3A_295 = arith.addi %add3A_293, %add3A_294 : i32
      %get3A_296 = arith.constant 2 : i32
      %get3A_297 = arith.index_cast %get3A_296 : i32 to index
      %get3A_298 = arith.constant 0 : index
      %get3A_299 = tpu.vector_load %arg6[%get3A_297, %get3A_298] {strides = array<i32>} : memref<4x16xi32, #tpu.memory_space<vmem>>, vector<1x16xi32>,
      %get3A_300 = vector.shape_cast %get3A_299 : vector<1x16xi32> to vector<16xi32>
      %mul3A_301 = arith.constant 4096 : i32
      %mul3A_302 = arith.muli %add3A_295, %mul3A_301 : i32
      %add3A_303 = vector.broadcast %mul3A_302 : i32 to vector<16xi32>
      %add3A_304 = arith.addi %get3A_300, %add3A_303 : vector<16xi32>
      %swap3A_305 = arith.index_cast %scan3A_176 : i32 to index
      %swap3A_306 = arith.constant 96 : index
      %swap3A_307 = tpu.vector_load %arg7[%swap3A_305, %swap3A_306] {strides = array<i32>} : memref<256x128xi32, #tpu.memory_space<vmem>>, vector<1x16xi32>,
      %swap3A_308 = vector.shape_cast %swap3A_307 : vector<1x16xi32> to vector<16xi32>
      %swap3A_309 = vector.shape_cast %add3A_304 : vector<16xi32> to vector<1x16xi32>
      tpu.vector_store %arg7[%swap3A_305, %swap3A_306], %swap3A_309 {strides = array<i32>} : memref<256x128xi32, #tpu.memory_space<vmem>>, vector<1x16xi32>,
      %mul3A_310 = arith.constant 2 : i32
      %mul3A_311 = arith.muli %scan3A_176, %mul3A_310 : i32
      %add3A_312 = arith.addi %mul3A_36, %mul3A_311 : i32
      %add3A_313 = arith.constant 1 : i32
      %add3A_314 = arith.addi %add3A_312, %add3A_313 : i32
      %get3A_315 = arith.constant 3 : i32
      %get3A_316 = arith.index_cast %get3A_315 : i32 to index
      %get3A_317 = arith.constant 0 : index
      %get3A_318 = tpu.vector_load %arg6[%get3A_316, %get3A_317] {strides = array<i32>} : memref<4x16xi32, #tpu.memory_space<vmem>>, vector<1x16xi32>,
      %get3A_319 = vector.shape_cast %get3A_318 : vector<1x16xi32> to vector<16xi32>
      %mul3A_320 = arith.constant 4096 : i32
      %mul3A_321 = arith.muli %add3A_314, %mul3A_320 : i32
      %add3A_322 = vector.broadcast %mul3A_321 : i32 to vector<16xi32>
      %add3A_323 = arith.addi %get3A_319, %add3A_322 : vector<16xi32>
      %swap3A_324 = arith.index_cast %scan3A_176 : i32 to index
      %swap3A_325 = arith.constant 112 : index
      %swap3A_326 = tpu.vector_load %arg7[%swap3A_324, %swap3A_325] {strides = array<i32>} : memref<256x128xi32, #tpu.memory_space<vmem>>, vector<1x16xi32>,
      %swap3A_327 = vector.shape_cast %swap3A_326 : vector<1x16xi32> to vector<16xi32>
      %swap3A_328 = vector.shape_cast %add3A_323 : vector<16xi32> to vector<1x16xi32>
      tpu.vector_store %arg7[%swap3A_324, %swap3A_325], %swap3A_328 {strides = array<i32>} : memref<256x128xi32, #tpu.memory_space<vmem>>, vector<1x16xi32>,
    }
    %scan3A_41 = arith.constant 256 : i32
    %dma_start3A = arith.constant 0 : i32
    %dma_start3A_42 = arith.constant 0 : i32
    %dma_start3A_43 = tpu.memref_slice %arg8[%dma_start3A_42] : memref<32768xf32, #tpu.memory_space<vmem>> -> memref<128xf32, #tpu.memory_space<vmem>>
    %dma_start3A_44 = arith.constant 0 : i32
    %dma_start3A_45 = tpu.memref_slice %arg7[%dma_start3A, %dma_start3A_44] : memref<256x128xi32, #tpu.memory_space<vmem>> -> memref<1x128xi32, #tpu.memory_space<vmem>>
    %dma_start3A_46 = tpu.memref_squeeze %dma_start3A_45 : memref<1x128xi32, #tpu.memory_space<vmem>> -> memref<128xi32, #tpu.memory_space<vmem>>
    %dma_start3A_47 = arith.constant 0 : i32
    %dma_start3A_48 = tpu.memref_slice %arg2[%dma_start3A_47] : memref<67108864xf32, #tpu.memory_space<hbm>> -> memref<67108864xf32, #tpu.memory_space<hbm>>
    tpu.enqueue_indirect_dma source(%dma_start3A_48 : memref<67108864xf32, #tpu.memory_space<hbm>>) target(%dma_start3A_43 : memref<128xf32, #tpu.memory_space<vmem>>) offsets(%dma_start3A_46 : memref<128xi32, #tpu.memory_space<vmem>>) semaphore(%arg9 : memref<!tpu.dma_semaphore, #tpu.memory_space<semaphore_mem>>)
    %dma_start3A_49 = arith.constant 1 : i32
    %dma_start3A_50 = arith.constant 128 : i32
    %dma_start3A_51 = tpu.memref_slice %arg8[%dma_start3A_50] : memref<32768xf32, #tpu.memory_space<vmem>> -> memref<128xf32, #tpu.memory_space<vmem>>
    %dma_start3A_52 = arith.constant 0 : i32
    %dma_start3A_53 = tpu.memref_slice %arg7[%dma_start3A_49, %dma_start3A_52] : memref<256x128xi32, #tpu.memory_space<vmem>> -> memref<1x128xi32, #tpu.memory_space<vmem>>
    %dma_start3A_54 = tpu.memref_squeeze %dma_start3A_53 : memref<1x128xi32, #tpu.memory_space<vmem>> -> memref<128xi32, #tpu.memory_space<vmem>>
    %dma_start3A_55 = arith.constant 0 : i32
    %dma_start3A_56 = tpu.memref_slice %arg2[%dma_start3A_55] : memref<67108864xf32, #tpu.memory_space<hbm>> -> memref<67108864xf32, #tpu.memory_space<hbm>>
    tpu.enqueue_indirect_dma source(%dma_start3A_56 : memref<67108864xf32, #tpu.memory_space<hbm>>) target(%dma_start3A_51 : memref<128xf32, #tpu.memory_space<vmem>>) offsets(%dma_start3A_54 : memref<128xi32, #tpu.memory_space<vmem>>) semaphore(%arg9 : memref<!tpu.dma_semaphore, #tpu.memory_space<semaphore_mem>>)
    %dma_start3A_57 = arith.constant 2 : i32
    %dma_start3A_58 = arith.constant 256 : i32
    %dma_start3A_59 = tpu.memref_slice %arg8[%dma_start3A_58] : memref<32768xf32, #tpu.memory_space<vmem>> -> memref<128xf32, #tpu.memory_space<vmem>>
    %dma_start3A_60 = arith.constant 0 : i32
    %dma_start3A_61 = tpu.memref_slice %arg7[%dma_start3A_57, %dma_start3A_60] : memref<256x128xi32, #tpu.memory_space<vmem>> -> memref<1x128xi32, #tpu.memory_space<vmem>>
    %dma_start3A_62 = tpu.memref_squeeze %dma_start3A_61 : memref<1x128xi32, #tpu.memory_space<vmem>> -> memref<128xi32, #tpu.memory_space<vmem>>
    %dma_start3A_63 = arith.constant 0 : i32
    %dma_start3A_64 = tpu.memref_slice %arg2[%dma_start3A_63] : memref<67108864xf32, #tpu.memory_space<hbm>> -> memref<67108864xf32, #tpu.memory_space<hbm>>
    tpu.enqueue_indirect_dma source(%dma_start3A_64 : memref<67108864xf32, #tpu.memory_space<hbm>>) target(%dma_start3A_59 : memref<128xf32, #tpu.memory_space<vmem>>) offsets(%dma_start3A_62 : memref<128xi32, #tpu.memory_space<vmem>>) semaphore(%arg9 : memref<!tpu.dma_semaphore, #tpu.memory_space<semaphore_mem>>)
    %dma_start3A_65 = arith.constant 3 : i32
    %dma_start3A_66 = arith.constant 384 : i32
    %dma_start3A_67 = tpu.memref_slice %arg8[%dma_start3A_66] : memref<32768xf32, #tpu.memory_space<vmem>> -> memref<128xf32, #tpu.memory_space<vmem>>
    %dma_start3A_68 = arith.constant 0 : i32
    %dma_start3A_69 = tpu.memref_slice %arg7[%dma_start3A_65, %dma_start3A_68] : memref<256x128xi32, #tpu.memory_space<vmem>> -> memref<1x128xi32, #tpu.memory_space<vmem>>
    %dma_start3A_70 = tpu.memref_squeeze %dma_start3A_69 : memref<1x128xi32, #tpu.memory_space<vmem>> -> memref<128xi32, #tpu.memory_space<vmem>>
    %dma_start3A_71 = arith.constant 0 : i32
    %dma_start3A_72 = tpu.memref_slice %arg2[%dma_start3A_71] : memref<67108864xf32, #tpu.memory_space<hbm>> -> memref<67108864xf32, #tpu.memory_space<hbm>>
    tpu.enqueue_indirect_dma source(%dma_start3A_72 : memref<67108864xf32, #tpu.memory_space<hbm>>) target(%dma_start3A_67 : memref<128xf32, #tpu.memory_space<vmem>>) offsets(%dma_start3A_70 : memref<128xi32, #tpu.memory_space<vmem>>) semaphore(%arg9 : memref<!tpu.dma_semaphore, #tpu.memory_space<semaphore_mem>>)
    %dma_start3A_73 = arith.constant 4 : i32
    %dma_start3A_74 = arith.constant 512 : i32
    %dma_start3A_75 = tpu.memref_slice %arg8[%dma_start3A_74] : memref<32768xf32, #tpu.memory_space<vmem>> -> memref<128xf32, #tpu.memory_space<vmem>>
    %dma_start3A_76 = arith.constant 0 : i32
    %dma_start3A_77 = tpu.memref_slice %arg7[%dma_start3A_73, %dma_start3A_76] : memref<256x128xi32, #tpu.memory_space<vmem>> -> memref<1x128xi32, #tpu.memory_space<vmem>>
    %dma_start3A_78 = tpu.memref_squeeze %dma_start3A_77 : memref<1x128xi32, #tpu.memory_space<vmem>> -> memref<128xi32, #tpu.memory_space<vmem>>
    %dma_start3A_79 = arith.constant 0 : i32
    %dma_start3A_80 = tpu.memref_slice %arg2[%dma_start3A_79] : memref<67108864xf32, #tpu.memory_space<hbm>> -> memref<67108864xf32, #tpu.memory_space<hbm>>
    tpu.enqueue_indirect_dma source(%dma_start3A_80 : memref<67108864xf32, #tpu.memory_space<hbm>>) target(%dma_start3A_75 : memref<128xf32, #tpu.memory_space<vmem>>) offsets(%dma_start3A_78 : memref<128xi32, #tpu.memory_space<vmem>>) semaphore(%arg9 : memref<!tpu.dma_semaphore, #tpu.memory_space<semaphore_mem>>)
    %dma_start3A_81 = arith.constant 5 : i32
    %dma_start3A_82 = arith.constant 640 : i32
    %dma_start3A_83 = tpu.memref_slice %arg8[%dma_start3A_82] : memref<32768xf32, #tpu.memory_space<vmem>> -> memref<128xf32, #tpu.memory_space<vmem>>
    %dma_start3A_84 = arith.constant 0 : i32
    %dma_start3A_85 = tpu.memref_slice %arg7[%dma_start3A_81, %dma_start3A_84] : memref<256x128xi32, #tpu.memory_space<vmem>> -> memref<1x128xi32, #tpu.memory_space<vmem>>
    %dma_start3A_86 = tpu.memref_squeeze %dma_start3A_85 : memref<1x128xi32, #tpu.memory_space<vmem>> -> memref<128xi32, #tpu.memory_space<vmem>>
    %dma_start3A_87 = arith.constant 0 : i32
    %dma_start3A_88 = tpu.memref_slice %arg2[%dma_start3A_87] : memref<67108864xf32, #tpu.memory_space<hbm>> -> memref<67108864xf32, #tpu.memory_space<hbm>>
    tpu.enqueue_indirect_dma source(%dma_start3A_88 : memref<67108864xf32, #tpu.memory_space<hbm>>) target(%dma_start3A_83 : memref<128xf32, #tpu.memory_space<vmem>>) offsets(%dma_start3A_86 : memref<128xi32, #tpu.memory_space<vmem>>) semaphore(%arg9 : memref<!tpu.dma_semaphore, #tpu.memory_space<semaphore_mem>>)
    %dma_start3A_89 = arith.constant 6 : i32
    %dma_start3A_90 = arith.constant 768 : i32
    %dma_start3A_91 = tpu.memref_slice %arg8[%dma_start3A_90] : memref<32768xf32, #tpu.memory_space<vmem>> -> memref<128xf32, #tpu.memory_space<vmem>>
    %dma_start3A_92 = arith.constant 0 : i32
    %dma_start3A_93 = tpu.memref_slice %arg7[%dma_start3A_89, %dma_start3A_92] : memref<256x128xi32, #tpu.memory_space<vmem>> -> memref<1x128xi32, #tpu.memory_space<vmem>>
    %dma_start3A_94 = tpu.memref_squeeze %dma_start3A_93 : memref<1x128xi32, #tpu.memory_space<vmem>> -> memref<128xi32, #tpu.memory_space<vmem>>
    %dma_start3A_95 = arith.constant 0 : i32
    %dma_start3A_96 = tpu.memref_slice %arg2[%dma_start3A_95] : memref<67108864xf32, #tpu.memory_space<hbm>> -> memref<67108864xf32, #tpu.memory_space<hbm>>
    tpu.enqueue_indirect_dma source(%dma_start3A_96 : memref<67108864xf32, #tpu.memory_space<hbm>>) target(%dma_start3A_91 : memref<128xf32, #tpu.memory_space<vmem>>) offsets(%dma_start3A_94 : memref<128xi32, #tpu.memory_space<vmem>>) semaphore(%arg9 : memref<!tpu.dma_semaphore, #tpu.memory_space<semaphore_mem>>)
    %dma_start3A_97 = arith.constant 7 : i32
    %dma_start3A_98 = arith.constant 896 : i32
    %dma_start3A_99 = tpu.memref_slice %arg8[%dma_start3A_98] : memref<32768xf32, #tpu.memory_space<vmem>> -> memref<128xf32, #tpu.memory_space<vmem>>
    %dma_start3A_100 = arith.constant 0 : i32
    %dma_start3A_101 = tpu.memref_slice %arg7[%dma_start3A_97, %dma_start3A_100] : memref<256x128xi32, #tpu.memory_space<vmem>> -> memref<1x128xi32, #tpu.memory_space<vmem>>
    %dma_start3A_102 = tpu.memref_squeeze %dma_start3A_101 : memref<1x128xi32, #tpu.memory_space<vmem>> -> memref<128xi32, #tpu.memory_space<vmem>>
    %dma_start3A_103 = arith.constant 0 : i32
    %dma_start3A_104 = tpu.memref_slice %arg2[%dma_start3A_103] : memref<67108864xf32, #tpu.memory_space<hbm>> -> memref<67108864xf32, #tpu.memory_space<hbm>>
    tpu.enqueue_indirect_dma source(%dma_start3A_104 : memref<67108864xf32, #tpu.memory_space<hbm>>) target(%dma_start3A_99 : memref<128xf32, #tpu.memory_space<vmem>>) offsets(%dma_start3A_102 : memref<128xi32, #tpu.memory_space<vmem>>) semaphore(%arg9 : memref<!tpu.dma_semaphore, #tpu.memory_space<semaphore_mem>>)
    %scan3A_105 = arith.constant 0 : i32
    %scan3A_106 = arith.constant 8 : i32
    %scan3A_107 = arith.constant 248 : i32
    %scan3A_108 = arith.addi %scan3A_106, %scan3A_107 : i32
    %scan3A_109 = arith.constant 1 : i32
    scf.for %scan3A_176 = %scan3A_106 to %scan3A_108 step %scan3A_109  : i32 {
      %dma_wait3A_177 = arith.constant 0 : i32
      %dma_wait3A_178 = arith.constant 0 : i32
      %dma_wait3A_179 = tpu.memref_slice %arg8[%dma_wait3A_178] : memref<32768xf32, #tpu.memory_space<vmem>> -> memref<128xf32, #tpu.memory_space<vmem>>
      %dma_wait3A_180 = arith.constant 0 : i32
      %dma_wait3A_181 = tpu.memref_slice %arg7[%dma_wait3A_177, %dma_wait3A_180] : memref<256x128xi32, #tpu.memory_space<vmem>> -> memref<1x128xi32, #tpu.memory_space<vmem>>
      %dma_wait3A_182 = tpu.memref_squeeze %dma_wait3A_181 : memref<1x128xi32, #tpu.memory_space<vmem>> -> memref<128xi32, #tpu.memory_space<vmem>>
      %dma_wait3A_183 = arith.constant 0 : i32
      %dma_wait3A_184 = tpu.memref_slice %arg2[%dma_wait3A_183] : memref<67108864xf32, #tpu.memory_space<hbm>> -> memref<67108864xf32, #tpu.memory_space<hbm>>
      tpu.wait_indirect_dma semaphore(%arg9 : memref<!tpu.dma_semaphore, #tpu.memory_space<semaphore_mem>>) src(%dma_wait3A_184 : memref<67108864xf32, #tpu.memory_space<hbm>>) dst(%dma_wait3A_179 : memref<128xf32, #tpu.memory_space<vmem>>)
      %mul3A_185 = arith.constant 128 : i32
      %mul3A_186 = arith.muli %scan3A_176, %mul3A_185 : i32
      %dma_start3A_187 = tpu.memref_slice %arg8[%mul3A_186] : memref<32768xf32, #tpu.memory_space<vmem>> -> memref<128xf32, #tpu.memory_space<vmem>>
      %dma_start3A_188 = arith.constant 0 : i32
      %dma_start3A_189 = tpu.memref_slice %arg7[%scan3A_176, %dma_start3A_188] : memref<256x128xi32, #tpu.memory_space<vmem>> -> memref<1x128xi32, #tpu.memory_space<vmem>>
      %dma_start3A_190 = tpu.memref_squeeze %dma_start3A_189 : memref<1x128xi32, #tpu.memory_space<vmem>> -> memref<128xi32, #tpu.memory_space<vmem>>
      %dma_start3A_191 = arith.constant 0 : i32
      %dma_start3A_192 = tpu.memref_slice %arg2[%dma_start3A_191] : memref<67108864xf32, #tpu.memory_space<hbm>> -> memref<67108864xf32, #tpu.memory_space<hbm>>
      tpu.enqueue_indirect_dma source(%dma_start3A_192 : memref<67108864xf32, #tpu.memory_space<hbm>>) target(%dma_start3A_187 : memref<128xf32, #tpu.memory_space<vmem>>) offsets(%dma_start3A_190 : memref<128xi32, #tpu.memory_space<vmem>>) semaphore(%arg9 : memref<!tpu.dma_semaphore, #tpu.memory_space<semaphore_mem>>)
    }
    %scan3A_110 = arith.constant 248 : i32
    %dma_wait3A = arith.constant 0 : i32
    %dma_wait3A_111 = arith.constant 0 : i32
    %dma_wait3A_112 = tpu.memref_slice %arg8[%dma_wait3A_111] : memref<32768xf32, #tpu.memory_space<vmem>> -> memref<128xf32, #tpu.memory_space<vmem>>
    %dma_wait3A_113 = arith.constant 0 : i32
    %dma_wait3A_114 = tpu.memref_slice %arg7[%dma_wait3A, %dma_wait3A_113] : memref<256x128xi32, #tpu.memory_space<vmem>> -> memref<1x128xi32, #tpu.memory_space<vmem>>
    %dma_wait3A_115 = tpu.memref_squeeze %dma_wait3A_114 : memref<1x128xi32, #tpu.memory_space<vmem>> -> memref<128xi32, #tpu.memory_space<vmem>>
    %dma_wait3A_116 = arith.constant 0 : i32
    %dma_wait3A_117 = tpu.memref_slice %arg2[%dma_wait3A_116] : memref<67108864xf32, #tpu.memory_space<hbm>> -> memref<67108864xf32, #tpu.memory_space<hbm>>
    tpu.wait_indirect_dma semaphore(%arg9 : memref<!tpu.dma_semaphore, #tpu.memory_space<semaphore_mem>>) src(%dma_wait3A_117 : memref<67108864xf32, #tpu.memory_space<hbm>>) dst(%dma_wait3A_112 : memref<128xf32, #tpu.memory_space<vmem>>)
    %dma_wait3A_118 = arith.constant 0 : i32
    %dma_wait3A_119 = arith.constant 0 : i32
    %dma_wait3A_120 = tpu.memref_slice %arg8[%dma_wait3A_119] : memref<32768xf32, #tpu.memory_space<vmem>> -> memref<128xf32, #tpu.memory_space<vmem>>
    %dma_wait3A_121 = arith.constant 0 : i32
    %dma_wait3A_122 = tpu.memref_slice %arg7[%dma_wait3A_118, %dma_wait3A_121] : memref<256x128xi32, #tpu.memory_space<vmem>> -> memref<1x128xi32, #tpu.memory_space<vmem>>
    %dma_wait3A_123 = tpu.memref_squeeze %dma_wait3A_122 : memref<1x128xi32, #tpu.memory_space<vmem>> -> memref<128xi32, #tpu.memory_space<vmem>>
    %dma_wait3A_124 = arith.constant 0 : i32
    %dma_wait3A_125 = tpu.memref_slice %arg2[%dma_wait3A_124] : memref<67108864xf32, #tpu.memory_space<hbm>> -> memref<67108864xf32, #tpu.memory_space<hbm>>
    tpu.wait_indirect_dma semaphore(%arg9 : memref<!tpu.dma_semaphore, #tpu.memory_space<semaphore_mem>>) src(%dma_wait3A_125 : memref<67108864xf32, #tpu.memory_space<hbm>>) dst(%dma_wait3A_120 : memref<128xf32, #tpu.memory_space<vmem>>)
    %dma_wait3A_126 = arith.constant 0 : i32
    %dma_wait3A_127 = arith.constant 0 : i32
    %dma_wait3A_128 = tpu.memref_slice %arg8[%dma_wait3A_127] : memref<32768xf32, #tpu.memory_space<vmem>> -> memref<128xf32, #tpu.memory_space<vmem>>
    %dma_wait3A_129 = arith.constant 0 : i32
    %dma_wait3A_130 = tpu.memref_slice %arg7[%dma_wait3A_126, %dma_wait3A_129] : memref<256x128xi32, #tpu.memory_space<vmem>> -> memref<1x128xi32, #tpu.memory_space<vmem>>
    %dma_wait3A_131 = tpu.memref_squeeze %dma_wait3A_130 : memref<1x128xi32, #tpu.memory_space<vmem>> -> memref<128xi32, #tpu.memory_space<vmem>>
    %dma_wait3A_132 = arith.constant 0 : i32
    %dma_wait3A_133 = tpu.memref_slice %arg2[%dma_wait3A_132] : memref<67108864xf32, #tpu.memory_space<hbm>> -> memref<67108864xf32, #tpu.memory_space<hbm>>
    tpu.wait_indirect_dma semaphore(%arg9 : memref<!tpu.dma_semaphore, #tpu.memory_space<semaphore_mem>>) src(%dma_wait3A_133 : memref<67108864xf32, #tpu.memory_space<hbm>>) dst(%dma_wait3A_128 : memref<128xf32, #tpu.memory_space<vmem>>)
    %dma_wait3A_134 = arith.constant 0 : i32
    %dma_wait3A_135 = arith.constant 0 : i32
    %dma_wait3A_136 = tpu.memref_slice %arg8[%dma_wait3A_135] : memref<32768xf32, #tpu.memory_space<vmem>> -> memref<128xf32, #tpu.memory_space<vmem>>
    %dma_wait3A_137 = arith.constant 0 : i32
    %dma_wait3A_138 = tpu.memref_slice %arg7[%dma_wait3A_134, %dma_wait3A_137] : memref<256x128xi32, #tpu.memory_space<vmem>> -> memref<1x128xi32, #tpu.memory_space<vmem>>
    %dma_wait3A_139 = tpu.memref_squeeze %dma_wait3A_138 : memref<1x128xi32, #tpu.memory_space<vmem>> -> memref<128xi32, #tpu.memory_space<vmem>>
    %dma_wait3A_140 = arith.constant 0 : i32
    %dma_wait3A_141 = tpu.memref_slice %arg2[%dma_wait3A_140] : memref<67108864xf32, #tpu.memory_space<hbm>> -> memref<67108864xf32, #tpu.memory_space<hbm>>
    tpu.wait_indirect_dma semaphore(%arg9 : memref<!tpu.dma_semaphore, #tpu.memory_space<semaphore_mem>>) src(%dma_wait3A_141 : memref<67108864xf32, #tpu.memory_space<hbm>>) dst(%dma_wait3A_136 : memref<128xf32, #tpu.memory_space<vmem>>)
    %dma_wait3A_142 = arith.constant 0 : i32
    %dma_wait3A_143 = arith.constant 0 : i32
    %dma_wait3A_144 = tpu.memref_slice %arg8[%dma_wait3A_143] : memref<32768xf32, #tpu.memory_space<vmem>> -> memref<128xf32, #tpu.memory_space<vmem>>
    %dma_wait3A_145 = arith.constant 0 : i32
    %dma_wait3A_146 = tpu.memref_slice %arg7[%dma_wait3A_142, %dma_wait3A_145] : memref<256x128xi32, #tpu.memory_space<vmem>> -> memref<1x128xi32, #tpu.memory_space<vmem>>
    %dma_wait3A_147 = tpu.memref_squeeze %dma_wait3A_146 : memref<1x128xi32, #tpu.memory_space<vmem>> -> memref<128xi32, #tpu.memory_space<vmem>>
    %dma_wait3A_148 = arith.constant 0 : i32
    %dma_wait3A_149 = tpu.memref_slice %arg2[%dma_wait3A_148] : memref<67108864xf32, #tpu.memory_space<hbm>> -> memref<67108864xf32, #tpu.memory_space<hbm>>
    tpu.wait_indirect_dma semaphore(%arg9 : memref<!tpu.dma_semaphore, #tpu.memory_space<semaphore_mem>>) src(%dma_wait3A_149 : memref<67108864xf32, #tpu.memory_space<hbm>>) dst(%dma_wait3A_144 : memref<128xf32, #tpu.memory_space<vmem>>)
    %dma_wait3A_150 = arith.constant 0 : i32
    %dma_wait3A_151 = arith.constant 0 : i32
    %dma_wait3A_152 = tpu.memref_slice %arg8[%dma_wait3A_151] : memref<32768xf32, #tpu.memory_space<vmem>> -> memref<128xf32, #tpu.memory_space<vmem>>
    %dma_wait3A_153 = arith.constant 0 : i32
    %dma_wait3A_154 = tpu.memref_slice %arg7[%dma_wait3A_150, %dma_wait3A_153] : memref<256x128xi32, #tpu.memory_space<vmem>> -> memref<1x128xi32, #tpu.memory_space<vmem>>
    %dma_wait3A_155 = tpu.memref_squeeze %dma_wait3A_154 : memref<1x128xi32, #tpu.memory_space<vmem>> -> memref<128xi32, #tpu.memory_space<vmem>>
    %dma_wait3A_156 = arith.constant 0 : i32
    %dma_wait3A_157 = tpu.memref_slice %arg2[%dma_wait3A_156] : memref<67108864xf32, #tpu.memory_space<hbm>> -> memref<67108864xf32, #tpu.memory_space<hbm>>
    tpu.wait_indirect_dma semaphore(%arg9 : memref<!tpu.dma_semaphore, #tpu.memory_space<semaphore_mem>>) src(%dma_wait3A_157 : memref<67108864xf32, #tpu.memory_space<hbm>>) dst(%dma_wait3A_152 : memref<128xf32, #tpu.memory_space<vmem>>)
    %dma_wait3A_158 = arith.constant 0 : i32
    %dma_wait3A_159 = arith.constant 0 : i32
    %dma_wait3A_160 = tpu.memref_slice %arg8[%dma_wait3A_159] : memref<32768xf32, #tpu.memory_space<vmem>> -> memref<128xf32, #tpu.memory_space<vmem>>
    %dma_wait3A_161 = arith.constant 0 : i32
    %dma_wait3A_162 = tpu.memref_slice %arg7[%dma_wait3A_158, %dma_wait3A_161] : memref<256x128xi32, #tpu.memory_space<vmem>> -> memref<1x128xi32, #tpu.memory_space<vmem>>
    %dma_wait3A_163 = tpu.memref_squeeze %dma_wait3A_162 : memref<1x128xi32, #tpu.memory_space<vmem>> -> memref<128xi32, #tpu.memory_space<vmem>>
    %dma_wait3A_164 = arith.constant 0 : i32
    %dma_wait3A_165 = tpu.memref_slice %arg2[%dma_wait3A_164] : memref<67108864xf32, #tpu.memory_space<hbm>> -> memref<67108864xf32, #tpu.memory_space<hbm>>
    tpu.wait_indirect_dma semaphore(%arg9 : memref<!tpu.dma_semaphore, #tpu.memory_space<semaphore_mem>>) src(%dma_wait3A_165 : memref<67108864xf32, #tpu.memory_space<hbm>>) dst(%dma_wait3A_160 : memref<128xf32, #tpu.memory_space<vmem>>)
    %dma_wait3A_166 = arith.constant 0 : i32
    %dma_wait3A_167 = arith.constant 0 : i32
    %dma_wait3A_168 = tpu.memref_slice %arg8[%dma_wait3A_167] : memref<32768xf32, #tpu.memory_space<vmem>> -> memref<128xf32, #tpu.memory_space<vmem>>
    %dma_wait3A_169 = arith.constant 0 : i32
    %dma_wait3A_170 = tpu.memref_slice %arg7[%dma_wait3A_166, %dma_wait3A_169] : memref<256x128xi32, #tpu.memory_space<vmem>> -> memref<1x128xi32, #tpu.memory_space<vmem>>
    %dma_wait3A_171 = tpu.memref_squeeze %dma_wait3A_170 : memref<1x128xi32, #tpu.memory_space<vmem>> -> memref<128xi32, #tpu.memory_space<vmem>>
    %dma_wait3A_172 = arith.constant 0 : i32
    %dma_wait3A_173 = tpu.memref_slice %arg2[%dma_wait3A_172] : memref<67108864xf32, #tpu.memory_space<hbm>> -> memref<67108864xf32, #tpu.memory_space<hbm>>
    tpu.wait_indirect_dma semaphore(%arg9 : memref<!tpu.dma_semaphore, #tpu.memory_space<semaphore_mem>>) src(%dma_wait3A_173 : memref<67108864xf32, #tpu.memory_space<hbm>>) dst(%dma_wait3A_168 : memref<128xf32, #tpu.memory_space<vmem>>)
    %mul3A_174 = arith.constant 32768 : i32
    %mul3A_175 = arith.muli %add3A, %mul3A_174 : i32
    "tpu.region"() ({
      %run_scoped3A = tpu.sem_alloc : memref<!tpu.dma_semaphore, #tpu.memory_space<semaphore_mem>>
      %dma_start3A_176 = tpu.memref_slice %arg4[%mul3A_175] : memref<1048576xf32, #tpu.memory_space<hbm>> -> memref<32768xf32, #tpu.memory_space<hbm>>
      %dma_start3A_177 = tpu.memref_slice %arg4[%mul3A_175] : memref<1048576xf32, #tpu.memory_space<hbm>> -> memref<32768xf32, #tpu.memory_space<hbm>>
      tpu.enqueue_dma source(%arg8 : memref<32768xf32, #tpu.memory_space<vmem>>) target(%dma_start3A_177 : memref<32768xf32, #tpu.memory_space<hbm>>) target_semaphore(%run_scoped3A : memref<!tpu.dma_semaphore, #tpu.memory_space<semaphore_mem>>)
      %dma_wait3A_178 = tpu.memref_slice %arg4[%mul3A_175] : memref<1048576xf32, #tpu.memory_space<hbm>> -> memref<32768xf32, #tpu.memory_space<hbm>>
      %dma_wait3A_179 = tpu.memref_slice %arg4[%mul3A_175] : memref<1048576xf32, #tpu.memory_space<hbm>> -> memref<32768xf32, #tpu.memory_space<hbm>>
      tpu.wait_dma2 semaphore(%run_scoped3A : memref<!tpu.dma_semaphore, #tpu.memory_space<semaphore_mem>>) src(%arg8 : memref<32768xf32, #tpu.memory_space<vmem>>) dst(%dma_wait3A_179 : memref<32768xf32, #tpu.memory_space<hbm>>)
      tpu.yield
    }) : () -> ()
    return
  }
}

</mosaic_0001>

<sc_bundles>
// kernel: kernel.3.cloned.1.call-start
scs
__scs_entry_jumppad:
0x0: {  	(pc) =	sbr.rel $0x88, $3  }
0x1: {  	(tag) =	ssettag $0x0;
	lr =	simm.s32 $0x1  }
0x2: {  	[smem:$0x3F9F] =	sst lr;
	_ =	strace $0xD0000000  }
0x3: {  	_ = 	snop  }
0x4: {  	_ = 	snop  }
0x5: {  	_ = 	snop  }
0x6: {  	_ = 	snop  }
0x7: {  	_ = 	snop  }
__scs_overlays_trampoline_lowered:
0x8: {  	[smem:$0x3FAE] =	sst s0  }
0x9: {  	[smem:$0x3FAF] =	sst s1  }
0xa: {  	[smem:$0x3FB0] =	sst s2  }
0xb: {  	[smem:$0x3FB1] =	sst s3  }
0xc: {  	[smem:$0x3FB2] =	sst s4  }
0xd: {  	[smem:$0x3FB3] =	sst s5  }
0xe: {  	[smem:$0x3FB4] =	sst s6  }
0xf: {  	[smem:$0x3FB5] =	sst s7  }
0x10: {  	[smem:$0x3FB6] =	sst s8  }
0x11: {  	[smem:$0x3FB7] =	sst s9;
	s0 =	simm.s32 @!p0 $0x0  }
0x12: {  	s1 =	sld [smem:$0x3F9D];
	s0 =	simm.s32 @p0 $0x1  }
0x13: {  	[smem:$0x3FB8] =	sst s0;
	s0 =	simm.s32 @!p1 $0x0  }
0x14: {  	s2 =	sld [smem:$0x3F9C];
	s0 =	simm.s32 @p1 $0x1  }
0x15: {  	[smem:$0x3FB9] =	sst s0;
	s0 =	simm.s32 @!p2 $0x0  }
0x16: {  	s3 =	sld [smem:$0x3FDB];
	s0 =	simm.s32 @p2 $0x1  }
0x17: {  	s4 =	simm.s32 $0x1BF5;
	[smem:$0x3FBB] =	sst s0  }
0x18: {  	s0 =	sld [smem:$0x3F9E];
	_ =	swait.ge [sflag:s4], $0x0  }
0x19: {  	s7 =	sld [smem:$0x3F9F]  }
0x1a: {  	s8 =	sadd.s32 $0xFFFFE003, lr  }
0x1b: {  	s9 =	sadd.s32 $0xFFFFFEF7, lr;
	s5 =	simm.s32 $0xFFFFFFFF;
	p2 =	slt.u32 s8, $0xFFFFF086  }
0x1c: {  	p1 =	slt.u32 s9, $0xF7A;
	s5 =	simm.s32 @!p2 $0x0  }
0x1d: {  	s5 =	simm.s32 @p1 $0x1;
	p0 =	seq.s32 s7, s2  }
0x1e: {  	s7 =	smul.u32 @!p0 $0xF7A, s2;
	p2 =	seq.s32 @!p0 s5, $0x0  }
0x1f: {  	s9 =	smul.u32 $0xF7A, s1;
	s8 =	simm.s32 @!p0 $0x1BF5;
	p2 =	por !p2, p0  }
0x20: {  	[sflag:s8] =	ssyncset.s32 @!p0 $0xFFFFF086;
	s6 =	sadd.s32 @!p0 s3, s7;
	s7 =	simm.s32 @!p0 $0x108  }
0x21: {  	s3 =	sadd.s32 s3, s9;
	s6 =	sadd.s32 @!p0 $0x88, s6;
	s7 =	simm.s32 @p2 $0x1082  }
0x22: {  	[simem:s7], [sflag:s8] =	dma.local @!p0 [hbm:s6], $0xF7A  }
0x23: {  	s9 =	sor.u32 $0xD0000000, s2;
	s6 =	simm.s32 $0x108;
	_ =	swait.ge @!p0 [sflag:s8], $0x0  }
0x24: {  	s3 =	sadd.s32 $0x88, s3;
	s6 =	simm.s32 @!p1 $0x1082;
	[sflag:s4] =	ssyncset.s32 $0xFFFFF086  }
0x25: {  	[simem:s6], [sflag:s4] =	dma.local [hbm:s3], $0xF7A  }
0x26: {  	[smem:$0x3F9F] =	sst s1;
	(tag) =	ssettag s2;
	_ =	strace s9  }
0x27: {  	s1 =	sld [smem:$0x3FAF]  }
0x28: {  	s2 =	sld [smem:$0x3FB0]  }
0x29: {  	s4 =	sld [smem:$0x3FB2]  }
0x2a: {  	p0 =	seq.s32 s5, $0x0;
	s5 =	sld [smem:$0x3FB3]  }
0x2b: {  	s6 =	sld [smem:$0x3FB4]  }
0x2c: {  	s7 =	sld [smem:$0x3FB5]  }
0x2d: {  	s3 =	simm.s32 $0x108;
	s8 =	sld [smem:$0x3FB6]  }
0x2e: {  	s3 =	simm.s32 @!p0 $0x1082;
	s9 =	sld [smem:$0x3FB7]  }
0x2f: {  	lr =	sadd.s32 s0, s3;
	s0 =	sld [smem:$0x3FAE]  }
0x30: {  	s3 =	sld [smem:$0x3FB1]  }
0x31: {  	[smem:$0x3FBA] =	sst s10  }
0x32: {  	s10 =	sld [smem:$0x3FB8];
	_ =	sdelay $0x3  }
0x33: {  	p0 =	seq.s32 s10, $0x1;
	s10 =	sld [smem:$0x3FBA];
	_ =	sdelay $0x3  }
0x34: {  	[smem:$0x3FBA] =	sst s10  }
0x35: {  	s10 =	sld [smem:$0x3FB9];
	_ =	sdelay $0x3  }
0x36: {  	p1 =	seq.s32 s10, $0x1;
	s10 =	sld [smem:$0x3FBA];
	_ =	sdelay $0x3  }
0x37: {  	[smem:$0x3FBA] =	sst s10  }
0x38: {  	s10 =	sld [smem:$0x3FBB]  }
0x39: {  	_ = 	snop;
	(pc) =	sbr.ind lr, $3  }
0x3a: {  	_ = 	snop  }
0x3b: {  	_ = 	snop  }
0x3c: {  	p2 =	seq.s32 s10, $0x1;
	s10 =	sld [smem:$0x3FBA]  }
0x3d: {  	_ =	shalt  }
0x3e: {  	_ =	shalt  }
0x3f: {  	_ =	shalt  }
0x40: {  	_ =	shalt  }
0x41: {  	_ =	shalt  }
0x42: {  	_ =	shalt  }
0x43: {  	_ =	shalt  }
0x44: {  	_ =	shalt  }
0x45: {  	_ =	shalt  }
0x46: {  	_ =	shalt  }
0x47: {  	_ =	shalt  }
0x48: {  	_ =	shalt  }
0x49: {  	_ =	shalt  }
0x4a: {  	_ =	shalt  }
0x4b: {  	_ =	shalt  }
0x4c: {  	_ =	shalt  }
0x4d: {  	_ =	shalt  }
0x4e: {  	_ =	shalt  }
0x4f: {  	_ =	shalt  }
0x50: {  	_ =	shalt  }
0x51: {  	_ =	shalt  }
0x52: {  	_ =	shalt  }
0x53: {  	_ =	shalt  }
0x54: {  	_ =	shalt  }
0x55: {  	_ =	shalt  }
0x56: {  	_ =	shalt  }
0x57: {  	_ =	shalt  }
0x58: {  	_ =	shalt  }
0x59: {  	_ =	shalt  }
0x5a: {  	_ =	shalt  }
0x5b: {  	_ =	shalt  }
0x5c: {  	_ =	shalt  }
0x5d: {  	_ =	shalt  }
0x5e: {  	_ =	shalt  }
0x5f: {  	_ =	shalt  }
0x60: {  	_ =	shalt  }
0x61: {  	_ =	shalt  }
0x62: {  	_ =	shalt  }
0x63: {  	_ =	shalt  }
0x64: {  	_ =	shalt  }
0x65: {  	_ =	shalt  }
0x66: {  	_ =	shalt  }
0x67: {  	_ =	shalt  }
0x68: {  	_ =	shalt  }
0x69: {  	_ =	shalt  }
0x6a: {  	_ =	shalt  }
0x6b: {  	_ =	shalt  }
0x6c: {  	_ =	shalt  }
0x6d: {  	_ =	shalt  }
0x6e: {  	_ =	shalt  }
0x6f: {  	_ =	shalt  }
0x70: {  	_ =	shalt  }
0x71: {  	_ =	shalt  }
0x72: {  	_ =	shalt  }
0x73: {  	_ =	shalt  }
0x74: {  	_ =	shalt  }
0x75: {  	_ =	shalt  }
0x76: {  	_ =	shalt  }
0x77: {  	_ =	shalt  }
0x78: {  	_ =	shalt  }
0x79: {  	_ =	shalt  }
0x7a: {  	_ =	shalt  }
0x7b: {  	_ =	shalt  }
0x7c: {  	_ =	shalt  }
0x7d: {  	_ =	shalt  }
0x7e: {  	_ =	shalt  }
0x7f: {  	_ =	shalt  }
0x80: {  	_ =	shalt  }
0x81: {  	_ =	shalt  }
0x82: {  	_ =	shalt  }
0x83: {  	_ =	shalt  }
0x84: {  	_ =	shalt  }
0x85: {  	_ =	shalt  }
0x86: {  	_ =	shalt  }
0x87: {  	_ =	shalt  }
.Lfunc_end0:
.L_simem_size_0:
called_computation.1_lowered:
.L_overlay_start_0:
0x88: {  	s2 =	sld [smem:$0x3FD9]  }
0x89: {  	s3 =	sld [smem:$0x3FFE];
	_ =	sdelay $0x1  }
0x8a: {  	s1 =	srdreg.scid  }
0x8b: {  	s0 =	sand.u32 $0x1, s1  }
0x8c: {  	s17 =	sshll.u32 s0, $0xA;
	s2 =	sadd.s32 s3, s2  }
0x8d: {  	s2 =	sadd.s32 s2, s17  }
0x8e: {  	[smem:$0x3FC6] =	sst s2  }
0x8f: {  	_ = 	snop  }
0x90: {  	s2 =	sld [smem:$0x3FC8]  }
0x91: {  	s18 =	sld [smem:$0x3FD0];
	(tm) =	ssettm $0x1  }
0x92: {  	s4 =	sld [smem:$0x3FFB];
	_ =	sdelay $0x3  }
0x93: {  	_ =	strace s4  }
0x94: {  	s4 =	sld [smem:$0x3FFC];
	_ =	sdelay $0x3  }
0x95: {  	_ =	strace s4  }
0x96: {  	s4 =	sld [smem:$0x3FFD];
	_ =	sdelay $0x3  }
0x97: {  	_ =	strace s4  }
0x98: {  	_ =	strace $0x8FFFFFFF  }
0x99: {  	s19 =	sld [smem:$0x3FDB];
	_ =	sdelay $0x1  }
0x9a: {  	s5 =	simm.s32 $_scs_section_size  }
0x9b: {  	s6 =	simm.s32 $_size__tile_overlayer_lowered;
	s7 =	simm.s32 $_tile_overlayer_lowered  }
0x9c: {  	s22 =	simm.s32 $0x1BFF;
	s21 =	sshll.u32 s7, $0x1;
	s4 =	sadd.s32 s5, s19  }
0x9d: {  	s8 =	simm.s32 $0x0;
	s20 =	sshll.u32 s6, $0x1;
	s6 =	sadd.s32 s21, s4  }
0x9e: {  	[timem:s8], [sflag:s22] =	dma.local [hbm:s6], s20  }
0x9f: {  	_ =	swait.ge [sflag:s22], s20  }
0xa0: {  	s5 =	ssub.s32 $0x0, s20;
	[sflag:s22] =	ssyncset.done $0x0  }
0xa1: {  	[sflag:s22] =	ssyncadd.s32 s5;
	_ =	sdelay $0x1  }
0xa2: {  	s23 =	simm.s32 $0x1B8B  }
0xa3: {  	_ =	swait.ge [sflag:s23], $0x1  }
0xa4: {  	[sflag:s23] =	ssyncset.done $0x0  }
0xa5: {  	s25 =	simm.s32 $0x1B8E;
	s24 =	sld [smem:$0x3FFE];
	[sflag:s23] =	ssyncadd.s32 $0xFFFFFFFF  }
0xa6: {  	s26 =	simm.s32 $execute0_lowered;
	[smem:$0x3FD2] =	sst s25  }
0xa7: {  	s6 =	sshll.u32 s26, $0x1;
	_ =	strace $0x80000049;
	[dreg:$0x1] =	wrdreg $0xFFFFFFFF  }
0xa8: {  	s28 =	simm.s32 $_size_execute0_lowered;
	s4 =	sadd.s32 s4, s6;
	[dreg:$0x0] =	wrdreg $0x0  }
0xa9: {  	s6 =	sshll.u32 s28, $0x1;
	[dreg:$0x2] =	wrdreg s4  }
0xaa: {  	[dreg:$0x3] =	wrdreg s6  }
0xab: {  	[dreg:$0x4] =	wrdreg $0xC0  }
0xac: {  	_ =	task [dreg:s8], $0x5FFFF  }
0xad: {  	[dreg:$0x1] =	wrdreg $0xFFFFFFFF  }
0xae: {  	[dreg:$0x0] =	wrdreg $0x60  }
0xaf: {  	[dreg:$0x2] =	wrdreg s24  }
0xb0: {  	[dreg:$0x3] =	wrdreg s2  }
0xb1: {  	[dreg:$0x4] =	wrdreg s18  }
0xb2: {  	[dreg:$0x5] =	wrdreg $0x9  }
0xb3: {  	_ =	task.clear_ibuf [dreg:s8], $0x6FFFF;
	_ =	strace $0x90000049  }
0xb4: {  	s29 =	simm.s32 $0x9;
	_ =	strace $0x8000004B  }
0xb5: {  	_ =	swait.ge [sflag:s29], $0x1  }
0xb6: {  	[sflag:s29] =	ssyncadd.s32 $0xFFFFFFFF  }
0xb7: {  	_ =	strace $0x9000004B  }
0xb8: {  	_ =	sfence  }
0xb9: {  	s30 =	sld [smem:$0x0];
	_ =	sdelay $0x2  }
0xba: {  	s31 =	sshll.u32 s1, $0xD;
	s1 =	sshrl.u32 s1, $0x2  }
0xbb: {  	s3 =	sand.u32 $0x4000, s31;
	s1 =	sadd.s32 s1, s30  }
0xbc: {  	s0 =	sor.u32 s3, s0;
	s1 =	sshll.u32 s1, $0x11  }
0xbd: {  	s0 =	sor.u32 s1, s0  }
0xbe: {  	s0 =	sadd.s32 $0x8F2B, s0  }
0xbf: {  	[sflag:s0] =	ssyncadd.remote.s32 $0x1  }
0xc0: {  	_ =	sfence.sel $0xFFFF  }
0xc1: {  	[dreg:$0x0] =	wrdreg $0xFFFFFFFF;
	(pc) =	sbr.abs _section_cstart, $3  }
0xc2: {  	[dreg:$0x1] =	wrdreg $0xFFFFFFFF  }
0xc3: {  	_ =	task.clear_ibuf [dreg:s8], $0x2FFFF;
	_ =	strace $0x9FFFFFFF  }
0xc4: {  	(tm) =	ssettm $0x7FFFFFFF  }
0xc5: {  	_ =	shalt  }
tec
execute0_lowered:
.L_overlay_start_1:
0x0: {  	(tag) =	ssettag $0x1  }
0x1: {  	s4 =	rddreg [dreg:$0x0]  }
0x2: {  	s1 =	rddreg [dreg:$0x1]  }
0x3: {  	s5 =	rddreg [dreg:$0x2];
	s3 =	simm.s32 $0x0;
	s6 =	srdreg.scid  }
0x4: {  	s2 =	stileid.u32;
	s11 =	simm.s32 $0x8280;
	s12 =	simm.s32 $0x300  }
0x5: {  	s13 =	simm.s32 $0x8300;
	s14 =	simm.s32 $0x380;
	s15 =	simm.s32 $0x8380  }
0x6: {  	s16 =	simm.s32 $0x400;
	s17 =	simm.s32 $0x8400;
	s18 =	simm.s32 $0x480  }
0x7: {  	s19 =	simm.s32 $0x8480;
	s20 =	simm.s32 $0x500;
	s21 =	simm.s32 $0x8500  }
0x8: {  	s22 =	simm.s32 $0x580;
	s23 =	simm.s32 $0x8580;
	s24 =	simm.s32 $0x600  }
0x9: {  	s25 =	simm.s32 $0x8600;
	s26 =	simm.s32 $0x1;
	s28 =	simm.s32 $0x0  }
0xa: {  	[smem:$0x7FF] =	sst s3;
	s7 =	sand.u32 $0x1, s6;
	s8 =	sshll.u32 s2, $0xD  }
0xb: {  	s4 =	sadd.s32 $0x800, s4;
	s31 =	sshll.u32 s2, $0x16;
	s6 =	ssub.s32 $0x2, s7  }
0xc: {  	s9 =	sshll.u32 s7, $0xC;
	_ =	strace $0x8000004A;
	s7 =	sshll.u32 s7, $0x15  }
0xd: {  	s10 =	sshrl.u32 s6, $0x1;
	s8 =	sor.u32 s9, s8;
	s7 =	sor.u32 s7, s31  }
0xe: {  	s9 =	simm.s32 $0x80;
	s6 =	ssub.s32 s6, s10;
	s5 =	sadd.s32 s5, s8  }
0xf: {  	s8 =	simm.s32 $0x2;
	s10 =	simm.s32 $0x280;
	s6 =	smax.u32 s6, $0x1  }
.LBB2_1:
0x10: {  	[tilespmem:s3], [sflag:$0x2] =	stream.linear.gather [hbm4b:s1+s3], $0x80, $0x38;
	[tilespmem:$0x10280] =	vst v63  }
0x11: {  	_ =	swait.ge [sflag:s8], $0x80  }
0x12: {  	[sflag:s8] =	ssyncset.done $0x0  }
0x13: {  	[sflag:s8] =	ssyncadd.s32 $0xFFFFFF80  }
0x14: {  	v0 =	vld [tilespmem:$0x0];
	_ =	sdelay $0x2  }
0x15: {  	v1 =	vld [tilespmem:$0x10]  }
0x16: {  	v2 =	vld [tilespmem:$0x20]  }
0x17: {  	[tilespmem:$0x80] =	vst v0;
	v0 =	vld [tilespmem:$0x30]  }
0x18: {  	v3 =	vld [tilespmem:$0x80];
	_ =	sdelay $0x2  }
0x19: {  	[tilespmem:$0x100] =	vst v1  }
0x1a: {  	s30 =	sadd.s32 $0x0, s7;
	[tilespmem:$0x180] =	vst v2  }
0x1b: {  	s29 =	simm.s32 $0x2C0;
	[tilespmem:$0x200] =	vst v0;
	v0 =	vadd.s32 s30, v3  }
0x1c: {  	[tilespmem:s29+$0xFFFFFFC0] =	vst v0  }
0x1d: {  	v0 =	vld [tilespmem:$0x100];
	_ =	sdelay $0x4  }
0x1e: {  	v0 =	vadd.s32 s30, v0  }
0x1f: {  	[tilespmem:s29+$0xFFFFFFD0] =	vst v0  }
0x20: {  	v0 =	vld [tilespmem:$0x180];
	_ =	sdelay $0x4  }
0x21: {  	v0 =	vadd.s32 s30, v0  }
0x22: {  	[tilespmem:s29+$0xFFFFFFE0] =	vst v0  }
0x23: {  	v0 =	vld [tilespmem:$0x200];
	_ =	sdelay $0x4  }
0x24: {  	v0 =	vadd.s32 s30, v0  }
0x25: {  	[tilespmem:s29+$0xFFFFFFF0] =	vst v0  }
0x26: {  	v0 =	vld [tilespmem:$0x80];
	_ =	sdelay $0x3  }
0x27: {  	s30 =	sadd.s32 $0x1000, s30  }
0x28: {  	v0 =	vadd.s32 s30, v0  }
0x29: {  	[tilespmem:s29+$0x0] =	vst v0  }
0x2a: {  	v0 =	vld [tilespmem:$0x100];
	_ =	sdelay $0x4  }
0x2b: {  	v0 =	vadd.s32 s30, v0  }
0x2c: {  	[tilespmem:s29+$0x10] =	vst v0  }
0x2d: {  	v0 =	vld [tilespmem:$0x180];
	_ =	sdelay $0x4  }
0x2e: {  	v0 =	vadd.s32 s30, v0  }
0x2f: {  	[tilespmem:s29+$0x20] =	vst v0  }
0x30: {  	v0 =	vld [tilespmem:$0x200];
	_ =	sdelay $0x4  }
0x31: {  	v0 =	vadd.s32 s30, v0  }
0x32: {  	[tilespmem:s29+$0x30] =	vst v0  }
0x33: {  	s31 =	simm.s32 $0x4000;
	s30 =	simm.s32 $0x2000;
	v0 =	vld [tilespmem:$0x80]  }
.LBB2_2:
0x34: {  	p0 =	sne.s32 s31, $0x1FE000;
	_ =	sdelay $0x2  }
0x35: {  	s0 =	sadd.s32 s30, s7;
	s30 =	smov.u32 s31  }
0x36: {  	s29 =	sadd.s32 $0x80, s29;
	v0 =	vadd.s32 s0, v0  }
0x37: {  	[tilespmem:s29+$0xFFFFFFC0] =	vst v0  }
0x38: {  	v0 =	vld [tilespmem:$0x100];
	_ =	sdelay $0x4  }
0x39: {  	v0 =	vadd.s32 s0, v0  }
0x3a: {  	[tilespmem:s29+$0xFFFFFFD0] =	vst v0  }
0x3b: {  	v0 =	vld [tilespmem:$0x180];
	_ =	sdelay $0x4  }
0x3c: {  	v0 =	vadd.s32 s0, v0  }
0x3d: {  	[tilespmem:s29+$0xFFFFFFE0] =	vst v0  }
0x3e: {  	v0 =	vld [tilespmem:$0x200];
	_ =	sdelay $0x4  }
0x3f: {  	v0 =	vadd.s32 s0, v0  }
0x40: {  	[tilespmem:s29+$0xFFFFFFF0] =	vst v0  }
0x41: {  	v0 =	vld [tilespmem:$0x80];
	_ =	sdelay $0x3  }
0x42: {  	s0 =	sadd.s32 $0x1000, s0  }
0x43: {  	v0 =	vadd.s32 s0, v0  }
0x44: {  	[tilespmem:s29+$0x0] =	vst v0  }
0x45: {  	v0 =	vld [tilespmem:$0x100];
	_ =	sdelay $0x4  }
0x46: {  	v0 =	vadd.s32 s0, v0  }
0x47: {  	[tilespmem:s29+$0x10] =	vst v0  }
0x48: {  	v0 =	vld [tilespmem:$0x180];
	_ =	sdelay $0x4  }
0x49: {  	v0 =	vadd.s32 s0, v0  }
0x4a: {  	[tilespmem:s29+$0x20] =	vst v0  }
0x4b: {  	v0 =	vld [tilespmem:$0x200];
	_ =	sdelay $0x2  }
.Ltmp0:
0x4c: {  	(pc) =	sbr.rel @p0 .LBB2_2-.Ltmp0, $4  }
0x4d: {  	_ = 	snop  }
0x4e: {  	v0 =	vadd.s32 s0, v0  }
0x4f: {  	[tilespmem:s29+$0x30] =	vst v0  }
0x50: {  	s31 =	sadd.s32 $0x2000, s31;
	v0 =	vld [tilespmem:$0x80]  }
0x51: {  	_ =	sdelay $0x2  }
0x52: {  	s0 =	sadd.s32 s30, s7  }
0x53: {  	s29 =	sadd.s32 $0x80, s29;
	v0 =	vadd.s32 s0, v0  }
0x54: {  	[tilespmem:s29+$0xFFFFFFC0] =	vst v0  }
0x55: {  	v0 =	vld [tilespmem:$0x100];
	_ =	sdelay $0x4  }
0x56: {  	v0 =	vadd.s32 s0, v0  }
0x57: {  	[tilespmem:s29+$0xFFFFFFD0] =	vst v0  }
0x58: {  	v0 =	vld [tilespmem:$0x180];
	_ =	sdelay $0x4  }
0x59: {  	v0 =	vadd.s32 s0, v0  }
0x5a: {  	[tilespmem:s29+$0xFFFFFFE0] =	vst v0  }
0x5b: {  	v0 =	vld [tilespmem:$0x200];
	_ =	sdelay $0x4  }
0x5c: {  	v0 =	vadd.s32 s0, v0  }
0x5d: {  	[tilespmem:s29+$0xFFFFFFF0] =	vst v0  }
0x5e: {  	v0 =	vld [tilespmem:$0x80];
	_ =	sdelay $0x3  }
0x5f: {  	s0 =	sadd.s32 $0x1000, s0  }
0x60: {  	v0 =	vadd.s32 s0, v0  }
0x61: {  	[tilespmem:s29+$0x0] =	vst v0  }
0x62: {  	v0 =	vld [tilespmem:$0x100];
	_ =	sdelay $0x4  }
0x63: {  	v0 =	vadd.s32 s0, v0  }
0x64: {  	[tilespmem:s29+$0x10] =	vst v0  }
0x65: {  	v0 =	vld [tilespmem:$0x180];
	_ =	sdelay $0x4  }
0x66: {  	v0 =	vadd.s32 s0, v0  }
0x67: {  	[tilespmem:s29+$0x20] =	vst v0  }
0x68: {  	v0 =	vld [tilespmem:$0x200];
	_ =	sdelay $0x4  }
0x69: {  	v0 =	vadd.s32 s0, v0  }
0x6a: {  	[tilespmem:s29+$0x30] =	vst v0  }
0x6b: {  	[tilespmem:s11], [sflag:$0x1] =	stream.indirect.gather [hbm4b:s4+s9], $0x1, s10, s9, $0xb8;
	[tilespmem:$0x10280] =	vst v63  }
0x6c: {  	_ = 	snop  }
0x6d: {  	[tilespmem:s13], [sflag:$0x1] =	stream.indirect.gather [hbm4b:s4+s9], $0x1, s12, s9, $0xb8;
	[tilespmem:$0x10280] =	vst v63  }
0x6e: {  	_ = 	snop  }
0x6f: {  	[tilespmem:s15], [sflag:$0x1] =	stream.indirect.gather [hbm4b:s4+s9], $0x1, s14, s9, $0xb8;
	[tilespmem:$0x10280] =	vst v63  }
0x70: {  	_ = 	snop  }
0x71: {  	[tilespmem:s17], [sflag:$0x1] =	stream.indirect.gather [hbm4b:s4+s9], $0x1, s16, s9, $0xb8;
	[tilespmem:$0x10280] =	vst v63  }
0x72: {  	_ = 	snop  }
0x73: {  	[tilespmem:s19], [sflag:$0x1] =	stream.indirect.gather [hbm4b:s4+s9], $0x1, s18, s9, $0xb8;
	[tilespmem:$0x10280] =	vst v63  }
0x74: {  	_ = 	snop  }
0x75: {  	[tilespmem:s21], [sflag:$0x1] =	stream.indirect.gather [hbm4b:s4+s9], $0x1, s20, s9, $0xb8;
	[tilespmem:$0x10280] =	vst v63  }
0x76: {  	_ = 	snop  }
0x77: {  	[tilespmem:s23], [sflag:$0x1] =	stream.indirect.gather [hbm4b:s4+s9], $0x1, s22, s9, $0xb8;
	[tilespmem:$0x10280] =	vst v63  }
0x78: {  	_ = 	snop  }
0x79: {  	[tilespmem:s25], [sflag:$0x1] =	stream.indirect.gather [hbm4b:s4+s9], $0x1, s24, s9, $0xb8;
	[tilespmem:$0x10280] =	vst v63  }
0x7a: {  	_ =	swait.ge [sflag:s26], $0x80  }
0x7b: {  	s30 =	simm.s32 $0x8680;
	[sflag:s26] =	ssyncset.done $0x0  }
0x7c: {  	s31 =	simm.s32 $0x680;
	s29 =	simm.s32 $0x1200;
	[sflag:s26] =	ssyncadd.s32 $0xFFFFFF80  }
.LBB2_4:
0x7d: {  	[tilespmem:s30], [sflag:$0x1] =	stream.indirect.gather [hbm4b:s4+s9], $0x1, s31, s9, $0xb8;
	[tilespmem:$0x10280] =	vst v63  }
0x7e: {  	s0 =	smov.u32 s29;
	p0 =	sne.s32 s29, $0x1FE00  }
.Ltmp1:
0x7f: {  	s29 =	sadd.s32 $0x200, s29;
	(pc) =	sbr.rel @p0 .LBB2_4-.Ltmp1, $4  }
0x80: {  	_ = 	snop  }
0x81: {  	_ =	swait.ge [sflag:s26], $0x80  }
0x82: {  	s0 =	sshra.s32 s0, $0x2;
	[sflag:s26] =	ssyncset.done $0x0  }
0x83: {  	s30 =	sadd.s32 $0x8280, s0;
	s31 =	sadd.s32 $0x280, s0;
	[sflag:s26] =	ssyncadd.s32 $0xFFFFFF80  }
0x84: {  	[tilespmem:s30], [sflag:$0x1] =	stream.indirect.gather [hbm4b:s4+s9], $0x1, s31, s9, $0xb8;
	[tilespmem:$0x10280] =	vst v63  }
0x85: {  	_ =	swait.ge [sflag:s26], $0x80  }
0x86: {  	[sflag:s26] =	ssyncset.done $0x0  }
0x87: {  	[sflag:s26] =	ssyncadd.s32 $0xFFFFFF80  }
0x88: {  	_ =	swait.ge [sflag:s26], $0x80  }
0x89: {  	[sflag:s26] =	ssyncset.done $0x0  }
0x8a: {  	[sflag:s26] =	ssyncadd.s32 $0xFFFFFF80  }
0x8b: {  	_ =	swait.ge [sflag:s26], $0x80  }
0x8c: {  	[sflag:s26] =	ssyncset.done $0x0  }
0x8d: {  	[sflag:s26] =	ssyncadd.s32 $0xFFFFFF80  }
0x8e: {  	_ =	swait.ge [sflag:s26], $0x80  }
0x8f: {  	[sflag:s26] =	ssyncset.done $0x0  }
0x90: {  	[sflag:s26] =	ssyncadd.s32 $0xFFFFFF80  }
0x91: {  	_ =	swait.ge [sflag:s26], $0x80  }
0x92: {  	[sflag:s26] =	ssyncset.done $0x0  }
0x93: {  	[sflag:s26] =	ssyncadd.s32 $0xFFFFFF80  }
0x94: {  	_ =	swait.ge [sflag:s26], $0x80  }
0x95: {  	[sflag:s26] =	ssyncset.done $0x0  }
0x96: {  	[sflag:s26] =	ssyncadd.s32 $0xFFFFFF80  }
0x97: {  	_ =	swait.ge [sflag:s26], $0x80  }
0x98: {  	[sflag:s26] =	ssyncset.done $0x0  }
0x99: {  	[sflag:s26] =	ssyncadd.s32 $0xFFFFFF80  }
0x9a: {  	s28 =	sadd.s32 $0x1, s28;
	_ =	swait.ge [sflag:s26], $0x80  }
0x9b: {  	p0 =	sne.s32 s28, s6;
	[sflag:s26] =	ssyncset.done $0x0  }
.Ltmp2:
0x9c: {  	[sflag:s26] =	ssyncadd.s32 $0xFFFFFF80;
	(pc) =	sbr.rel @p0 .LBB2_1-.Ltmp2, $4  }
0x9d: {  	[hbm4b:s5+s3] =	stream.linear.scatter [tilespmem:s11], [sflag:$0x2], $0x8000, $0x38;
	[tilespmem:$0x10280] =	vst v63  }
0x9e: {  	_ =	swait.ge [sflag:s8], $0x8000  }
0x9f: {  	[sflag:s8] =	ssyncset.done $0x0  }
0xa0: {  	[sflag:s8] =	ssyncadd.s32 $0xFFFF8000  }
0xa1: {  	_ =	sfence.sel $0x180000  }
0xa2: {  	[bflag:$0x0] =	sbarrier.arrive $0xFFFF  }
0xa3: {  	_ =	strace $0x9000004A  }
0xa4: {  	[bflag:$0x2] =	sbarrier.arrive $0xFFFF  }
0xa5: {  	p0 =	sne.s32 s2, $0x0;
	s0 =	rddreg [dreg:$0x3]  }
0xa6: {  	s0 =	sadd.s32 @!p0 $0x100000, s0  }
0xa7: {  	[sflag:s0] =	ssyncadd.tile.s32 @!p0 $0x1;
	_ =	shalt  }
.Lfunc_end2:
_tile_overlayer_lowered:
.L_overlay_start_2:
0xa8: {  	(tag) =	ssettag $0x2  }
0xa9: {  	s0 =	rddreg [dreg:$0x0];
	s2 =	stileid.u32  }
0xaa: {  	s1 =	rddreg [dreg:$0x1];
	p0 =	sne.s32 s2, $0x0  }
0xab: {  	s3 =	rddreg [dreg:$0x2];
	[bflag:$0x3] =	sbarrier.arrive $0xFFFF;
	s2 =	simm.s32 @!p0 $0x1C02  }
0xac: {  	[timem:s3], [sflag:s2] =	dma.local @!p0 [hbm:s0], s1  }
0xad: {  	s0 =	simm.s32 @!p0 $0x2  }
0xae: {  	_ =	swait.ge @!p0 [sflag:s0], s1  }
0xaf: {  	s1 =	ssub.s32 @!p0 $0x0, s1;
	[sflag:s0] =	ssyncset.done @!p0 $0x0  }
0xb0: {  	[sflag:s0] =	ssyncadd.s32 @!p0 s1  }
0xb1: {  	[bflag:$0x3] =	sbarrier.arrive $0xFFFF  }
0xb2: {  	_ =	shalt  }

// kernel: sparse-core-data-format-call.cloned.1.call-start
scs
called_computation_lowered:
.L_overlay_start_0:
0x0: {  	s2 =	sld [smem:$0x3FD9]  }
0x1: {  	s3 =	sld [smem:$0x3FFE];
	_ =	sdelay $0x1  }
0x2: {  	s1 =	srdreg.scid  }
0x3: {  	s0 =	sand.u32 $0x1, s1  }
0x4: {  	s18 =	sshll.u32 s0, $0xA;
	s2 =	sadd.s32 s3, s2  }
0x5: {  	s2 =	sadd.s32 s2, s18  }
0x6: {  	[smem:$0x3FC6] =	sst s2  }
0x7: {  	_ = 	snop  }
0x8: {  	s2 =	sld [smem:$0x3FC9];
	(tm) =	ssettm $0x1  }
0x9: {  	s19 =	sld [smem:$0x3FFB];
	_ =	sdelay $0x3  }
0xa: {  	_ =	strace s19  }
0xb: {  	s3 =	sld [smem:$0x3FFC];
	_ =	sdelay $0x3  }
0xc: {  	_ =	strace s3  }
0xd: {  	s3 =	sld [smem:$0x3FFD];
	_ =	sdelay $0x3  }
0xe: {  	_ =	strace s3  }
0xf: {  	_ =	strace $0x8FFFFFFF  }
0x10: {  	s20 =	sld [smem:$0x3FDB];
	_ =	sdelay $0x1  }
0x11: {  	s4 =	simm.s32 $_scs_section_size  }
0x12: {  	s5 =	simm.s32 $_size__tile_overlayer_lowered;
	s6 =	simm.s32 $_tile_overlayer_lowered  }
0x13: {  	s23 =	simm.s32 $0x1BFF;
	s22 =	sshll.u32 s6, $0x1;
	s3 =	sadd.s32 s4, s20  }
0x14: {  	s7 =	simm.s32 $0x0;
	s21 =	sshll.u32 s5, $0x1;
	s5 =	sadd.s32 s22, s3  }
0x15: {  	[timem:s7], [sflag:s23] =	dma.local [hbm:s5], s21  }
0x16: {  	_ =	swait.ge [sflag:s23], s21  }
0x17: {  	s4 =	ssub.s32 $0x0, s21;
	[sflag:s23] =	ssyncset.done $0x0  }
0x18: {  	[sflag:s23] =	ssyncadd.s32 s4;
	_ =	sdelay $0x1  }
0x19: {  	s24 =	simm.s32 $0x1B8B  }
0x1a: {  	_ =	swait.ge [sflag:s24], $0x1  }
0x1b: {  	[sflag:s24] =	ssyncset.done $0x0  }
0x1c: {  	s26 =	simm.s32 $0x1B8E;
	s25 =	sld [smem:$0x3FFE];
	[sflag:s24] =	ssyncadd.s32 $0xFFFFFFFF  }
0x1d: {  	s27 =	simm.s32 $execute0_lowered;
	[smem:$0x3FD2] =	sst s26  }
0x1e: {  	s5 =	sshll.u32 s27, $0x1;
	_ =	strace $0x80000046;
	[dreg:$0x1] =	wrdreg $0xFFFFFFFF  }
0x1f: {  	s28 =	simm.s32 $_size_execute0_lowered;
	s3 =	sadd.s32 s3, s5;
	[dreg:$0x0] =	wrdreg $0x0  }
0x20: {  	s5 =	sshll.u32 s28, $0x1;
	[dreg:$0x2] =	wrdreg s3  }
0x21: {  	[dreg:$0x3] =	wrdreg s5  }
0x22: {  	[dreg:$0x4] =	wrdreg $0xC0  }
0x23: {  	_ =	task [dreg:s7], $0x5FFFF  }
0x24: {  	[dreg:$0x1] =	wrdreg $0xFFFFFFFF  }
0x25: {  	[dreg:$0x0] =	wrdreg $0x60  }
0x26: {  	[dreg:$0x2] =	wrdreg s2  }
0x27: {  	[dreg:$0x3] =	wrdreg s25  }
0x28: {  	[dreg:$0x4] =	wrdreg $0x9  }
0x29: {  	_ =	task.clear_ibuf [dreg:s7], $0x5FFFF;
	_ =	strace $0x90000046  }
0x2a: {  	s29 =	simm.s32 $0x9;
	_ =	strace $0x80000048  }
0x2b: {  	_ =	swait.ge [sflag:s29], $0x1  }
0x2c: {  	[sflag:s29] =	ssyncadd.s32 $0xFFFFFFFF  }
0x2d: {  	_ =	strace $0x90000048  }
0x2e: {  	_ =	sfence  }
0x2f: {  	s30 =	sld [smem:$0x0];
	_ =	sdelay $0x2  }
0x30: {  	s31 =	sshll.u32 s1, $0xD;
	s1 =	sshrl.u32 s1, $0x2  }
0x31: {  	s3 =	sand.u32 $0x4000, s31;
	s1 =	sadd.s32 s1, s30  }
0x32: {  	s0 =	sor.u32 s3, s0;
	s1 =	sshll.u32 s1, $0x11  }
0x33: {  	s0 =	sor.u32 s1, s0  }
0x34: {  	s0 =	sadd.s32 $0x8F2B, s0  }
0x35: {  	[sflag:s0] =	ssyncadd.remote.s32 $0x1  }
0x36: {  	_ =	sfence.sel $0xFFFF  }
0x37: {  	[dreg:$0x0] =	wrdreg $0xFFFFFFFF;
	(pc) =	sbr.abs _section_cstart, $3  }
0x38: {  	[dreg:$0x1] =	wrdreg $0xFFFFFFFF  }
0x39: {  	_ =	task.clear_ibuf [dreg:s7], $0x2FFFF;
	_ =	strace $0x9FFFFFFF  }
0x3a: {  	(tm) =	ssettm $0x7FFFFFFF  }
0x3b: {  	_ =	shalt  }
tec
execute0_lowered:
.L_overlay_start_1:
0x0: {  	(tag) =	ssettag $0x1  }
0x1: {  	s2 =	rddreg [dreg:$0x0]  }
0x2: {  	s1 =	rddreg [dreg:$0x1]  }
0x3: {  	s0 =	rddreg [dreg:$0x2];
	_ =	strace $0x80000047;
	s4 =	srdreg.scid  }
0x4: {  	s6 =	simm.s32 $0x2;
	s11 =	simm.s32 $0x0;
	p0 =	por $0x0, $0x0  }
.Ltmp0:
0x5: {  	s7 =	simm.s32 $0x1000;
	s12 =	simm.s32 $0x0;
	(pc) =	sbr.rel .LBB1_1-.Ltmp0, $4  }
0x6: {  	s9 =	simm.s32 $0x0;
	s3 =	sadd.s32 $0x800, s1;
	s5 =	sshll.u32 s4, $0x4  }
0x7: {  	s1 =	stileid.u32;
	s4 =	simm.s32 $0x1;
	s5 =	sand.u32 $0x10, s5  }
0x8: {  	s8 =	simm.s32 $0x0;
	[sflag:s4] =	ssyncpa.u1 $0x0;
	s5 =	sor.u32 s1, s5  }
0x9: {  	[sflag:s6] =	ssyncpa.u1 $0x0;
	s6 =	simm.s32 $0x800;
	s10 =	smov.u32 s5  }
.LBB1_7:
0xa: {  	s13 =	sadd.s32 $0x10, s9  }
0xb: {  	s11 =	sadd.s32 $0x20, s10;
	s15 =	smov.u32 s10;
	p2 =	sgt.s32 s13, $0x1F  }
0xc: {  	p1 =	slt.u32 s8, $0x2;
	s15 =	smov.u32 @p2 s11  }
0xd: {  	s8 =	sadd.s32 $0x1, s8;
	s13 =	simm.s32 @p2 $0x0;
	p2 =	sgt.s32 s15, $0x7FF  }
0xe: {  	s15 =	smov.u32 @p2 s5;
	p2 =	sne.s32 s8, $0x82  }
.Ltmp1:
0xf: {  	_ = 	snop;
	(pc) =	sbr.rel @!p2 .LBB1_8-.Ltmp1, $4  }
0x10: {  	s14 =	simm.s32 @!p1 $0x2  }
0x11: {  	s12 =	smov.u32 s10;
	_ =	swait.ge @!p1 [sflag:s14], $0x4000  }
0x12: {  	p0 =	por !p0, !p0;
	s11 =	smov.u32 s9;
	[sflag:s14] =	ssyncset.done @!p1 $0x0  }
0x13: {  	s9 =	smov.u32 s13;
	[sflag:s14] =	ssyncadd.s32 @!p1 $0xFFFFC000;
	s10 =	smov.u32 s15  }
.LBB1_1:
0x14: {  	p1 =	sgt.u32 s8, $0x7F  }
0x15: {  	s13 =	sxor.u32 @!p1 $0xFFFFFFFF, s8;
	s14 =	sshll.u32 @!p1 s10, $0xC  }
0x16: {  	s15 =	sshll.u32 @!p1 s9, $0x7;
	s13 =	sshll.u32 @!p1 s13, $0xE;
	s14 =	sadd.s32 @!p1 s2, s14  }
0x17: {  	s13 =	sand.u32 @!p1 $0x4000, s13;
	s14 =	sadd.s32 @!p1 s15, s14;
	s15 =	simm.s32 @!p1 $0x0  }
0x18: {  	[tilespmem:s13], [sflag:$0x1] =	stream.linear.gather @!p1 [hbm4b:s14+s15], $0x4000, $0x38;
	[tilespmem:$0x10000] =	vst v63  }
0x19: {  	p1 =	seq.s32 s8, $0x0  }
0x1a: {  	p2 =	seq.s32 @!p1 s8, $0x81  }
0x1b: {  	p1 =	por p1, p2  }
.Ltmp2:
0x1c: {  	_ = 	snop;
	(pc) =	sbr.rel @p1 .LBB1_7-.Ltmp2, $1  }
0x1d: {  	_ =	sdelay $0x3  }
0x1e: {  	s13 =	simm.s32 $0x1;
	_ =	swait.ge [sflag:s4], $0x4000;
	s16 =	sshll.u32 s8, $0xE  }
0x1f: {  	s13 =	simm.s32 @!p0 $0x0;
	[sflag:s4] =	ssyncset.done $0x0;
	s31 =	sand.u32 $0x4000, s16  }
0x20: {  	s16 =	simm.s32 $0x0;
	s14 =	sshll.u32 s13, $0xE;
	[sflag:s4] =	ssyncadd.s32 $0xFFFFC000  }
0x21: {  	s13 =	sor.u32 $0x8040, s14;
	s15 =	sor.u32 $0x40, s14;
	s14 =	sor.u32 $0x8000, s31  }
.LBB1_3:
0x22: {  	v0 =	vmov s15;
	_ =	sdelay $0x3  }
0x23: {  	s18 =	simm.s32 $0x0  }
0x24: {  	v6 =	vld.idx.msk [tilespmem:v0+s18+$0x30 ss:$0x1], $0xffff  }
0x25: {  	v7 =	vld.idx.msk [tilespmem:v0+s18+$0xFFFFFFC0 ss:$0x1], $0xffff  }
0x26: {  	v5 =	vld.idx.msk [tilespmem:v0+s18+$0xFFFFFFD0 ss:$0x1], $0xffff  }
0x27: {  	v4 =	vld.idx.msk [tilespmem:v0+s18+$0xFFFFFFE0 ss:$0x1], $0xffff  }
0x28: {  	v3 =	vld.idx.msk [tilespmem:v0+s18+$0xFFFFFFF0 ss:$0x1], $0xffff  }
0x29: {  	v1 =	vld.idx.msk [tilespmem:v0+s18+$0x0 ss:$0x1], $0xffff  }
0x2a: {  	v2 =	vld.idx.msk [tilespmem:v0+s18+$0x10 ss:$0x1], $0xffff;
	[tilespmem:s13+$0x30] =	vst v6  }
0x2b: {  	s17 =	simm.s32 $0x80;
	s19 =	simm.s32 $0x400;
	[tilespmem:s13+$0xFFFFFFC0] =	vst v7;
	v6 =	vld.idx.msk [tilespmem:v0+s18+$0x20 ss:$0x1], $0xffff;
	s18 =	smov.u32 s13  }
.LBB1_4:
0x2c: {  	p1 =	sne.s32 s19, $0xE00;
	v7 =	vld.idx.msk [tilespmem:v0+s17+$0x30 ss:$0x1], $0xffff;
	[tilespmem:s18+$0xFFFFFFD0] =	vst v5  }
0x2d: {  	v8 =	vld.idx.msk [tilespmem:v0+s17+$0xFFFFFFC0 ss:$0x1], $0xffff;
	[tilespmem:s18+$0xFFFFFFE0] =	vst v4  }
0x2e: {  	v5 =	vld.idx.msk [tilespmem:v0+s17+$0xFFFFFFD0 ss:$0x1], $0xffff;
	[tilespmem:s18+$0xFFFFFFF0] =	vst v3  }
.Ltmp3:
0x2f: {  	v4 =	vld.idx.msk [tilespmem:v0+s17+$0xFFFFFFE0 ss:$0x1], $0xffff;
	[tilespmem:s18+$0x0] =	vst v1;
	(pc) =	sbr.rel @p1 .LBB1_4-.Ltmp3, $4  }
0x30: {  	v3 =	vld.idx.msk [tilespmem:v0+s17+$0xFFFFFFF0 ss:$0x1], $0xffff;
	[tilespmem:s18+$0x10] =	vst v2  }
0x31: {  	v1 =	vld.idx.msk [tilespmem:v0+s17+$0x0 ss:$0x1], $0xffff;
	[tilespmem:s18+$0x20] =	vst v6;
	s18 =	sadd.s32 $0x800, s18  }
0x32: {  	v2 =	vld.idx.msk [tilespmem:v0+s17+$0x10 ss:$0x1], $0xffff;
	[tilespmem:s18+$0x30] =	vst v7  }
0x33: {  	[tilespmem:s18+$0xFFFFFFC0] =	vst v8;
	v6 =	vld.idx.msk [tilespmem:v0+s17+$0x20 ss:$0x1], $0xffff;
	s17 =	sshra.s32 s19, $0x2;
	s19 =	sadd.s32 $0x200, s19  }
0x34: {  	_ =	sdelay $0x2  }
0x35: {  	[tilespmem:s18+$0xFFFFFFD0] =	vst v5  }
0x36: {  	v56 =	vld.idx.msk [tilespmem:v0+s17+$0x30 ss:$0x1], $0xffff;
	[tilespmem:s18+$0xFFFFFFE0] =	vst v4  }
0x37: {  	v57 =	vld.idx.msk [tilespmem:v0+s17+$0xFFFFFFC0 ss:$0x1], $0xffff;
	[tilespmem:s18+$0xFFFFFFF0] =	vst v3  }
0x38: {  	v58 =	vld.idx.msk [tilespmem:v0+s17+$0xFFFFFFD0 ss:$0x1], $0xffff;
	[tilespmem:s18+$0x0] =	vst v1  }
0x39: {  	v59 =	vld.idx.msk [tilespmem:v0+s17+$0xFFFFFFE0 ss:$0x1], $0xffff;
	[tilespmem:s18+$0x10] =	vst v2  }
0x3a: {  	v60 =	vld.idx.msk [tilespmem:v0+s17+$0xFFFFFFF0 ss:$0x1], $0xffff;
	s31 =	sadd.s32 $0x800, s18;
	[tilespmem:s18+$0x20] =	vst v6  }
0x3b: {  	v61 =	vld.idx.msk [tilespmem:v0+s17+$0x0 ss:$0x1], $0xffff;
	[tilespmem:s31+$0x30] =	vst v56  }
0x3c: {  	v62 =	vld.idx.msk [tilespmem:v0+s17+$0x10 ss:$0x1], $0xffff;
	s16 =	sadd.s32 $0x1, s16;
	[tilespmem:s31+$0xFFFFFFC0] =	vst v57  }
0x3d: {  	v63 =	vld.idx.msk [tilespmem:v0+s17+$0x20 ss:$0x1], $0xffff;
	p1 =	sne.s32 s16, $0x10;
	[tilespmem:s31+$0xFFFFFFD0] =	vst v58  }
.Ltmp4:
0x3e: {  	[tilespmem:s31+$0xFFFFFFE0] =	vst v59;
	(pc) =	sbr.rel @p1 .LBB1_3-.Ltmp4, $4  }
0x3f: {  	[tilespmem:s31+$0xFFFFFFF0] =	vst v60  }
0x40: {  	[tilespmem:s31+$0x0] =	vst v61  }
0x41: {  	[tilespmem:s31+$0x10] =	vst v62  }
0x42: {  	s13 =	sadd.s32 $0x80, s13;
	s15 =	sadd.s32 $0x400, s15;
	[tilespmem:s31+$0x20] =	vst v63  }
.Ltmp5:
0x43: {  	(pc) =	sbr.rel .LBB1_7-.Ltmp5, $4  }
0x44: {  	s12 =	sshll.u32 s12, $0xC;
	s11 =	sshll.u32 s11, $0x4  }
0x45: {  	s11 =	sand.u32 $0x1F0, s11;
	s12 =	sadd.s32 s3, s12  }
0x46: {  	s11 =	sadd.s32 s11, s12  }
0x47: {  	[hbm4b:s11+s6] =	stream.strided.scatter [tilespmem:s14], [sflag:$0x2], $0x4000, s7, s6, $0x38;
	[tilespmem:$0x10000] =	vst v63  }
.LBB1_8:
0x48: {  	_ =	sfence.sel $0x180000  }
0x49: {  	s2 =	simm.s32 $0x1;
	[bflag:$0x0] =	sbarrier.arrive $0xFFFF  }
0x4a: {  	s31 =	simm.s32 $0x2;
	[sflag:s2] =	ssyncpa.u1 $0x1  }
0x4b: {  	[sflag:s31] =	ssyncpa.u1 $0x1  }
0x4c: {  	p0 =	sne.s32 s1, $0x0;
	_ =	strace $0x90000047  }
0x4d: {  	s0 =	sadd.s32 @!p0 $0x100000, s0;
	[bflag:$0x2] =	sbarrier.arrive $0xFFFF  }
0x4e: {  	[sflag:s0] =	ssyncadd.tile.s32 @!p0 $0x1;
	_ =	shalt  }
.Lfunc_end1:
_tile_overlayer_lowered:
.L_overlay_start_2:
0x4f: {  	(tag) =	ssettag $0x2  }
0x50: {  	s0 =	rddreg [dreg:$0x0];
	s2 =	stileid.u32  }
0x51: {  	s1 =	rddreg [dreg:$0x1];
	p0 =	sne.s32 s2, $0x0  }
0x52: {  	s3 =	rddreg [dreg:$0x2];
	[bflag:$0x3] =	sbarrier.arrive $0xFFFF;
	s2 =	simm.s32 @!p0 $0x1C01  }
0x53: {  	[timem:s3], [sflag:s2] =	dma.local @!p0 [hbm:s0], s1  }
0x54: {  	s0 =	simm.s32 @!p0 $0x1  }
0x55: {  	_ =	swait.ge @!p0 [sflag:s0], s1  }
0x56: {  	s1 =	ssub.s32 @!p0 $0x0, s1;
	[sflag:s0] =	ssyncset.done @!p0 $0x0  }
0x57: {  	[sflag:s0] =	ssyncadd.s32 @!p0 s1  }
0x58: {  	[bflag:$0x3] =	sbarrier.arrive $0xFFFF  }
0x59: {  	_ =	shalt  }

</sc_bundles>
